<compile_context>
chip_gen: v7x
topology: tpu7x:2x2x1
jax: 0.10.2.dev20260603
libtpu: 0.0.44.dev20260713+nightly
codegen_flags: <defaults>
</compile_context>

<pallas_src>
import functools

import jax
import jax.numpy as jnp
from jax import lax
from jax.experimental import pallas as pl
from jax.experimental.pallas import tpu as pltpu
from jax.experimental.pallas import tpu_sc as plsc

_POOL = 1000
_EMBED = 128
_LENGTH = 8
_TOPK = 4
_BATCH = 1024

_BR = 1024
_GRID = _BATCH // _BR

_NC = 2
_NS = 16
_NW = _NC * _NS
_BPW = (_BATCH * _TOPK) // _NW
_CH = 32
_NCHUNK = _BPW // _CH


def _topk_body(q_ref, keys_ref, idx_ref, loss_ref):
    q = q_ref[...]
    keys = keys_ref[...]
    big = jnp.float32(1e30)
    kp = jnp.concatenate(
        [keys, jnp.zeros((1024 - _POOL, _EMBED), jnp.float32)], axis=0)
    q2 = jnp.sum(q * q, axis=1, keepdims=True)
    k2r = jnp.sum(keys * keys, axis=1)[None, :]
    k2 = jnp.concatenate(
        [k2r, jnp.full((1, 1024 - _POOL), big, jnp.float32)], axis=1)
    qk = lax.dot_general(q, kp, (((1,), (1,)), ((), ())),
                         preferred_element_type=jnp.float32)
    d2 = jnp.maximum(q2 + k2 - 2.0 * qk, 0.0)
    colf = lax.broadcasted_iota(jnp.int32, d2.shape, 1).astype(jnp.float32)
    colf0 = lax.broadcasted_iota(jnp.int32, (_BR, 128), 1).astype(jnp.float32)

    total = jnp.float32(0.0)
    picks = []
    for _ in range(_TOPK):
        rv = d2[:, 0:128]
        ri = colf0
        for g in range(1, 8):
            c = d2[:, 128 * g:128 * (g + 1)]
            lt = c < rv
            rv = jnp.where(lt, c, rv)
            ri = jnp.where(lt, colf0 + jnp.float32(128 * g), ri)
        m = jnp.min(rv, axis=1, keepdims=True)
        am = jnp.min(jnp.where(rv == m, ri, big),
                     axis=1, keepdims=True)
        picks.append(am)
        total = total + jnp.sum(jnp.sqrt(m))
        d2 = jnp.where(colf == am, big, d2)
    cat = jnp.concatenate(picks, axis=1)
    r_lane = lax.broadcasted_iota(jnp.int32, (_TOPK, 128), 1)
    r_row = lax.broadcasted_iota(jnp.int32, (_TOPK, 128), 0)
    rep = ((r_lane & 3) == r_row).astype(jnp.float32)
    a1 = lax.dot_general(cat, rep, (((1,), (0,)), ((), ())),
                         preferred_element_type=jnp.float32)
    lane = lax.broadcasted_iota(jnp.int32, (_BR, 128), 1)
    row = lax.broadcasted_iota(jnp.int32, (_BR, 128), 0)
    a2 = jnp.where((lane >> 2) == (row & 31), a1, 0.0)
    nrow = _BR * _TOPK // 128
    l_lane = lax.broadcasted_iota(jnp.int32, (nrow, _BR), 1)
    l_row = lax.broadcasted_iota(jnp.int32, (nrow, _BR), 0)
    lsum = ((l_lane >> 5) == l_row).astype(jnp.float32)
    m2 = lax.dot_general(lsum, a2, (((1,), (0,)), ((), ())),
                         preferred_element_type=jnp.float32)
    idx_ref[...] = m2.astype(jnp.int32)
    loss_ref[...] = jnp.broadcast_to(total, (1, 1, 128))


def _topk_call(query, prompt_keys):
    return pl.pallas_call(
        _topk_body,
        grid=(_GRID,),
        in_specs=[
            pl.BlockSpec((_BR, _EMBED), lambda i: (i, 0)),
            pl.BlockSpec((_POOL, _EMBED), lambda i: (0, 0)),
        ],
        out_specs=[
            pl.BlockSpec((_BR * _TOPK // 128, 128), lambda i: (i, 0)),
            pl.BlockSpec((1, 1, 128), lambda i: (i, 0, 0)),
        ],
        out_shape=[
            jax.ShapeDtypeStruct((_BATCH * _TOPK // 128, 128), jnp.int32),
            jax.ShapeDtypeStruct((_GRID, 1, 128), jnp.float32),
        ],
    )(query, prompt_keys)


def _gather_body(table_hbm, idx_hbm, out_hbm, idx_v, rows_v, sem0, sem1):
    wid = lax.axis_index("s") * _NC + lax.axis_index("c")
    base = wid * _BPW
    pltpu.sync_copy(idx_hbm.at[wid], idx_v)
    sems = (sem0, sem1)
    cps = [None, None]
    for c in range(_NCHUNK):
        b = c % 2
        if cps[b] is not None:
            cps[b].wait()
            pltpu.sync_copy(rows_v.at[b],
                            out_hbm.at[pl.ds(base + (c - 2) * _CH, _CH)])
        cps[b] = pltpu.async_copy(
            table_hbm.at[idx_v.at[pl.ds(c * _CH, _CH)]],
            rows_v.at[b], sems[b])
    for c in range(_NCHUNK - 2, _NCHUNK):
        b = c % 2
        cps[b].wait()
        pltpu.sync_copy(rows_v.at[b],
                        out_hbm.at[pl.ds(base + c * _CH, _CH)])


def _gather_call(table, idx2):
    mesh = plsc.VectorSubcoreMesh(core_axis_name="c", subcore_axis_name="s")
    return pl.kernel(
        _gather_body,
        out_type=jax.ShapeDtypeStruct((_BATCH * _TOPK, _LENGTH, _EMBED),
                                      jnp.float32),
        mesh=mesh,
        scratch_types=[
            pltpu.VMEM((_BPW,), jnp.int32),
            pltpu.VMEM((2, _CH, _LENGTH, _EMBED), jnp.float32),
            pltpu.SemaphoreType.DMA,
            pltpu.SemaphoreType.DMA,
        ],
    )(table, idx2)


@jax.jit
def kernel(query, prompt_keys, prompt_values):
    idx2, loss_parts = _topk_call(query, prompt_keys)
    key_loss = jnp.sum(loss_parts[:, 0, 0]) / _BATCH
    rows = _gather_call(prompt_values, idx2)
    quantized = rows.reshape(_BATCH, _TOPK, _LENGTH, _EMBED)
    return (quantized, key_loss)

# --- scband reference (transcript-rebuilt; emitter-appended) ---
"""Pipeline reference for scband-prompt-pool-5669356830722 (READ-ONLY COPY).

The authoritative reference and input builder live on the scoring server;
editing this copy changes nothing except your own understanding.
"""

import jax, jax.numpy as jnp
import numpy as np

POOL_SIZE = 1000
EMBED = 128
LENGTH = 8
TOP_K = 4
BATCH = 1024


def setup_inputs(seed: int = 0) -> dict:
    key = jax.random.key(seed)
    k1, k2, k3 = jax.random.split(key, 3)
    query = jax.random.normal(k1, (BATCH, EMBED), dtype=jnp.float32)
    # kaiming_uniform_ equivalent: bound = 1/sqrt(fan_in) with a=sqrt(5) default
    b_keys = 1.0 / np.sqrt(EMBED)
    prompt_keys = jax.random.uniform(k2, (POOL_SIZE, EMBED), dtype=jnp.float32, minval=-b_keys, maxval=b_keys)
    b_vals = 1.0 / np.sqrt(LENGTH * EMBED)
    prompt_values = jax.random.uniform(k3, (POOL_SIZE, LENGTH, EMBED), dtype=jnp.float32, minval=-b_vals, maxval=b_vals)
    return {"query": query, "prompt_keys": prompt_keys, "prompt_values": prompt_values}


def reference(query, prompt_keys, prompt_values):
    # euclidean cdist via matmul expansion
    q2 = jnp.sum(query * query, axis=1, keepdims=True)
    k2 = jnp.sum(prompt_keys * prompt_keys, axis=1)[None, :]
    d2 = jnp.maximum(q2 + k2 - 2.0 * (query @ prompt_keys.T), 0.0)
    distance = jnp.sqrt(d2)
    # top-k SMALLEST distances
    neg_vals, distance_top_k_idx = jax.lax.top_k(-distance, TOP_K)
    distance_top_k = -neg_vals
    one_hot_idx = jax.nn.one_hot(distance_top_k_idx, POOL_SIZE, dtype=jnp.float32)
    quantized_values = jnp.einsum('bns,sld->bnld', one_hot_idx, prompt_values)
    key_loss = jnp.sum(distance_top_k) / query.shape[0]
    return (quantized_values, key_loss)

if __name__ == "__main__":
    import jax
    _d = setup_inputs()
    print(jax.jit(kernel)(*tuple(_d.values())))

</pallas_src>

<mosaic_0001>
#map = affine_map<(d0, d1) -> (0, 0, 0)>
#map1 = affine_map<(d0, d1) -> (0, 0)>
module attributes {stable_mosaic.version = 14 : i64} {
  func.func @_gather_body(%arg0: i32, %arg1: i32, %arg2: memref<1000x8x128xf32, #tpu.memory_space<hbm>>, %arg3: memref<32x128xi32, #tpu.memory_space<hbm>>, %arg4: memref<4096x8x128xf32, #tpu.memory_space<hbm>>, %arg5: memref<128xi32, #tpu.memory_space<vmem>>, %arg6: memref<2x32x8x128xf32, #tpu.memory_space<vmem>>, %arg7: memref<!tpu.dma_semaphore, #tpu.memory_space<semaphore_mem>>, %arg8: memref<!tpu.dma_semaphore, #tpu.memory_space<semaphore_mem>>) attributes {dimension_semantics = [#tpu.dimension_semantics<core_parallel>, #tpu.dimension_semantics<subcore_parallel>], iteration_bounds = array<i64: 2, 16>, scalar_prefetch = 0 : i64, scratch_operands = 4 : i64, tpu.core_type = #tpu.core_type<sc_vector_subcore>, window_params = [{transform_indices = #map}, {transform_indices = #map1}, {transform_indices = #map}]} {
    %mul3A = arith.constant 2 : i32
    %mul3A_0 = arith.muli %arg1, %mul3A : i32
    %add3A = arith.addi %mul3A_0, %arg0 : i32
    %mul3A_1 = arith.constant 128 : i32
    %mul3A_2 = arith.muli %add3A, %mul3A_1 : i32
    "tpu.region"() ({
      %run_scoped3A_108 = tpu.sem_alloc : memref<!tpu.dma_semaphore, #tpu.memory_space<semaphore_mem>>
      %dma_start3A_109 = arith.constant 0 : i32
      %dma_start3A_110 = tpu.memref_slice %arg3[%add3A, %dma_start3A_109] : memref<32x128xi32, #tpu.memory_space<hbm>> -> memref<1x128xi32, #tpu.memory_space<hbm>>
      %dma_start3A_111 = tpu.memref_squeeze %dma_start3A_110 : memref<1x128xi32, #tpu.memory_space<hbm>> -> memref<128xi32, #tpu.memory_space<hbm>>
      %dma_start3A_112 = arith.constant 0 : i32
      %dma_start3A_113 = tpu.memref_slice %arg3[%add3A, %dma_start3A_112] : memref<32x128xi32, #tpu.memory_space<hbm>> -> memref<1x128xi32, #tpu.memory_space<hbm>>
      %dma_start3A_114 = tpu.memref_squeeze %dma_start3A_113 : memref<1x128xi32, #tpu.memory_space<hbm>> -> memref<128xi32, #tpu.memory_space<hbm>>
      tpu.enqueue_dma source(%dma_start3A_114 : memref<128xi32, #tpu.memory_space<hbm>>) target(%arg5 : memref<128xi32, #tpu.memory_space<vmem>>) target_semaphore(%run_scoped3A_108 : memref<!tpu.dma_semaphore, #tpu.memory_space<semaphore_mem>>)
      %dma_wait3A_115 = arith.constant 0 : i32
      %dma_wait3A_116 = tpu.memref_slice %arg3[%add3A, %dma_wait3A_115] : memref<32x128xi32, #tpu.memory_space<hbm>> -> memref<1x128xi32, #tpu.memory_space<hbm>>
      %dma_wait3A_117 = tpu.memref_squeeze %dma_wait3A_116 : memref<1x128xi32, #tpu.memory_space<hbm>> -> memref<128xi32, #tpu.memory_space<hbm>>
      %dma_wait3A_118 = arith.constant 0 : i32
      %dma_wait3A_119 = tpu.memref_slice %arg3[%add3A, %dma_wait3A_118] : memref<32x128xi32, #tpu.memory_space<hbm>> -> memref<1x128xi32, #tpu.memory_space<hbm>>
      %dma_wait3A_120 = tpu.memref_squeeze %dma_wait3A_119 : memref<1x128xi32, #tpu.memory_space<hbm>> -> memref<128xi32, #tpu.memory_space<hbm>>
      tpu.wait_dma2 semaphore(%run_scoped3A_108 : memref<!tpu.dma_semaphore, #tpu.memory_space<semaphore_mem>>) src(%dma_wait3A_120 : memref<128xi32, #tpu.memory_space<hbm>>) dst(%arg5 : memref<128xi32, #tpu.memory_space<vmem>>)
      tpu.yield
    }) : () -> ()
    %dma_start3A = arith.constant 0 : i32
    %dma_start3A_3 = arith.constant 0 : i32
    %dma_start3A_4 = arith.constant 0 : i32
    %dma_start3A_5 = arith.constant 0 : i32
    %dma_start3A_6 = tpu.memref_slice %arg6[%dma_start3A, %dma_start3A_3, %dma_start3A_4, %dma_start3A_5] : memref<2x32x8x128xf32, #tpu.memory_space<vmem>> -> memref<1x32x8x128xf32, #tpu.memory_space<vmem>>
    %dma_start3A_7 = tpu.memref_squeeze %dma_start3A_6 : memref<1x32x8x128xf32, #tpu.memory_space<vmem>> -> memref<32x8x128xf32, #tpu.memory_space<vmem>>
    %dma_start3A_8 = arith.constant 0 : i32
    %dma_start3A_9 = tpu.memref_slice %arg5[%dma_start3A_8] : memref<128xi32, #tpu.memory_space<vmem>> -> memref<32xi32, #tpu.memory_space<vmem>>
    %dma_start3A_10 = arith.constant 0 : i32
    %dma_start3A_11 = arith.constant 0 : i32
    %dma_start3A_12 = arith.constant 0 : i32
    %dma_start3A_13 = tpu.memref_slice %arg2[%dma_start3A_10, %dma_start3A_11, %dma_start3A_12] : memref<1000x8x128xf32, #tpu.memory_space<hbm>> -> memref<1000x8x128xf32, #tpu.memory_space<hbm>>
    tpu.enqueue_indirect_dma source(%dma_start3A_13 : memref<1000x8x128xf32, #tpu.memory_space<hbm>>) target(%dma_start3A_7 : memref<32x8x128xf32, #tpu.memory_space<vmem>>) offsets(%dma_start3A_9 : memref<32xi32, #tpu.memory_space<vmem>>) semaphore(%arg7 : memref<!tpu.dma_semaphore, #tpu.memory_space<semaphore_mem>>)
    %dma_start3A_14 = arith.constant 1 : i32
    %dma_start3A_15 = arith.constant 0 : i32
    %dma_start3A_16 = arith.constant 0 : i32
    %dma_start3A_17 = arith.constant 0 : i32
    %dma_start3A_18 = tpu.memref_slice %arg6[%dma_start3A_14, %dma_start3A_15, %dma_start3A_16, %dma_start3A_17] : memref<2x32x8x128xf32, #tpu.memory_space<vmem>> -> memref<1x32x8x128xf32, #tpu.memory_space<vmem>>
    %dma_start3A_19 = tpu.memref_squeeze %dma_start3A_18 : memref<1x32x8x128xf32, #tpu.memory_space<vmem>> -> memref<32x8x128xf32, #tpu.memory_space<vmem>>
    %dma_start3A_20 = arith.constant 32 : i32
    %dma_start3A_21 = tpu.memref_slice %arg5[%dma_start3A_20] : memref<128xi32, #tpu.memory_space<vmem>> -> memref<32xi32, #tpu.memory_space<vmem>>
    %dma_start3A_22 = arith.constant 0 : i32
    %dma_start3A_23 = arith.constant 0 : i32
    %dma_start3A_24 = arith.constant 0 : i32
    %dma_start3A_25 = tpu.memref_slice %arg2[%dma_start3A_22, %dma_start3A_23, %dma_start3A_24] : memref<1000x8x128xf32, #tpu.memory_space<hbm>> -> memref<1000x8x128xf32, #tpu.memory_space<hbm>>
    tpu.enqueue_indirect_dma source(%dma_start3A_25 : memref<1000x8x128xf32, #tpu.memory_space<hbm>>) target(%dma_start3A_19 : memref<32x8x128xf32, #tpu.memory_space<vmem>>) offsets(%dma_start3A_21 : memref<32xi32, #tpu.memory_space<vmem>>) semaphore(%arg8 : memref<!tpu.dma_semaphore, #tpu.memory_space<semaphore_mem>>)
    %dma_wait3A = arith.constant 0 : i32
    %dma_wait3A_26 = arith.constant 0 : i32
    %dma_wait3A_27 = arith.constant 0 : i32
    %dma_wait3A_28 = arith.constant 0 : i32
    %dma_wait3A_29 = tpu.memref_slice %arg6[%dma_wait3A, %dma_wait3A_26, %dma_wait3A_27, %dma_wait3A_28] : memref<2x32x8x128xf32, #tpu.memory_space<vmem>> -> memref<1x32x8x128xf32, #tpu.memory_space<vmem>>
    %dma_wait3A_30 = tpu.memref_squeeze %dma_wait3A_29 : memref<1x32x8x128xf32, #tpu.memory_space<vmem>> -> memref<32x8x128xf32, #tpu.memory_space<vmem>>
    %dma_wait3A_31 = arith.constant 0 : i32
    %dma_wait3A_32 = tpu.memref_slice %arg5[%dma_wait3A_31] : memref<128xi32, #tpu.memory_space<vmem>> -> memref<32xi32, #tpu.memory_space<vmem>>
    %dma_wait3A_33 = arith.constant 0 : i32
    %dma_wait3A_34 = arith.constant 0 : i32
    %dma_wait3A_35 = arith.constant 0 : i32
    %dma_wait3A_36 = tpu.memref_slice %arg2[%dma_wait3A_33, %dma_wait3A_34, %dma_wait3A_35] : memref<1000x8x128xf32, #tpu.memory_space<hbm>> -> memref<1000x8x128xf32, #tpu.memory_space<hbm>>
    tpu.wait_indirect_dma semaphore(%arg7 : memref<!tpu.dma_semaphore, #tpu.memory_space<semaphore_mem>>) src(%dma_wait3A_36 : memref<1000x8x128xf32, #tpu.memory_space<hbm>>) dst(%dma_wait3A_30 : memref<32x8x128xf32, #tpu.memory_space<vmem>>)
    %add3A_37 = arith.constant 0 : i32
    %add3A_38 = arith.addi %mul3A_2, %add3A_37 : i32
    %run_scoped3A = arith.constant 0 : i32
    "tpu.region"() ({
      %run_scoped3A_108 = tpu.sem_alloc : memref<!tpu.dma_semaphore, #tpu.memory_space<semaphore_mem>>
      %dma_start3A_109 = arith.constant 0 : i32
      %dma_start3A_110 = arith.constant 0 : i32
      %dma_start3A_111 = arith.constant 0 : i32
      %dma_start3A_112 = tpu.memref_slice %arg6[%run_scoped3A, %dma_start3A_109, %dma_start3A_110, %dma_start3A_111] : memref<2x32x8x128xf32, #tpu.memory_space<vmem>> -> memref<1x32x8x128xf32, #tpu.memory_space<vmem>>
      %dma_start3A_113 = tpu.memref_squeeze %dma_start3A_112 : memref<1x32x8x128xf32, #tpu.memory_space<vmem>> -> memref<32x8x128xf32, #tpu.memory_space<vmem>>
      %dma_start3A_114 = arith.constant 0 : i32
      %dma_start3A_115 = arith.constant 0 : i32
      %dma_start3A_116 = tpu.memref_slice %arg4[%add3A_38, %dma_start3A_114, %dma_start3A_115] : memref<4096x8x128xf32, #tpu.memory_space<hbm>> -> memref<32x8x128xf32, #tpu.memory_space<hbm>>
      %dma_start3A_117 = arith.constant 0 : i32
      %dma_start3A_118 = arith.constant 0 : i32
      %dma_start3A_119 = tpu.memref_slice %arg4[%add3A_38, %dma_start3A_117, %dma_start3A_118] : memref<4096x8x128xf32, #tpu.memory_space<hbm>> -> memref<32x8x128xf32, #tpu.memory_space<hbm>>
      %dma_start3A_120 = arith.constant 0 : i32
      %dma_start3A_121 = arith.constant 0 : i32
      %dma_start3A_122 = arith.constant 0 : i32
      %dma_start3A_123 = tpu.memref_slice %arg6[%run_scoped3A, %dma_start3A_120, %dma_start3A_121, %dma_start3A_122] : memref<2x32x8x128xf32, #tpu.memory_space<vmem>> -> memref<1x32x8x128xf32, #tpu.memory_space<vmem>>
      %dma_start3A_124 = tpu.memref_squeeze %dma_start3A_123 : memref<1x32x8x128xf32, #tpu.memory_space<vmem>> -> memref<32x8x128xf32, #tpu.memory_space<vmem>>
      tpu.enqueue_dma source(%dma_start3A_124 : memref<32x8x128xf32, #tpu.memory_space<vmem>>) target(%dma_start3A_119 : memref<32x8x128xf32, #tpu.memory_space<hbm>>) target_semaphore(%run_scoped3A_108 : memref<!tpu.dma_semaphore, #tpu.memory_space<semaphore_mem>>)
      %dma_wait3A_125 = arith.constant 0 : i32
      %dma_wait3A_126 = arith.constant 0 : i32
      %dma_wait3A_127 = arith.constant 0 : i32
      %dma_wait3A_128 = tpu.memref_slice %arg6[%run_scoped3A, %dma_wait3A_125, %dma_wait3A_126, %dma_wait3A_127] : memref<2x32x8x128xf32, #tpu.memory_space<vmem>> -> memref<1x32x8x128xf32, #tpu.memory_space<vmem>>
      %dma_wait3A_129 = tpu.memref_squeeze %dma_wait3A_128 : memref<1x32x8x128xf32, #tpu.memory_space<vmem>> -> memref<32x8x128xf32, #tpu.memory_space<vmem>>
      %dma_wait3A_130 = arith.constant 0 : i32
      %dma_wait3A_131 = arith.constant 0 : i32
      %dma_wait3A_132 = tpu.memref_slice %arg4[%add3A_38, %dma_wait3A_130, %dma_wait3A_131] : memref<4096x8x128xf32, #tpu.memory_space<hbm>> -> memref<32x8x128xf32, #tpu.memory_space<hbm>>
      %dma_wait3A_133 = arith.constant 0 : i32
      %dma_wait3A_134 = arith.constant 0 : i32
      %dma_wait3A_135 = tpu.memref_slice %arg4[%add3A_38, %dma_wait3A_133, %dma_wait3A_134] : memref<4096x8x128xf32, #tpu.memory_space<hbm>> -> memref<32x8x128xf32, #tpu.memory_space<hbm>>
      %dma_wait3A_136 = arith.constant 0 : i32
      %dma_wait3A_137 = arith.constant 0 : i32
      %dma_wait3A_138 = arith.constant 0 : i32
      %dma_wait3A_139 = tpu.memref_slice %arg6[%run_scoped3A, %dma_wait3A_136, %dma_wait3A_137, %dma_wait3A_138] : memref<2x32x8x128xf32, #tpu.memory_space<vmem>> -> memref<1x32x8x128xf32, #tpu.memory_space<vmem>>
      %dma_wait3A_140 = tpu.memref_squeeze %dma_wait3A_139 : memref<1x32x8x128xf32, #tpu.memory_space<vmem>> -> memref<32x8x128xf32, #tpu.memory_space<vmem>>
      tpu.wait_dma2 semaphore(%run_scoped3A_108 : memref<!tpu.dma_semaphore, #tpu.memory_space<semaphore_mem>>) src(%dma_wait3A_140 : memref<32x8x128xf32, #tpu.memory_space<vmem>>) dst(%dma_wait3A_135 : memref<32x8x128xf32, #tpu.memory_space<hbm>>)
      tpu.yield
    }) : () -> ()
    %dma_start3A_39 = arith.constant 0 : i32
    %dma_start3A_40 = arith.constant 0 : i32
    %dma_start3A_41 = arith.constant 0 : i32
    %dma_start3A_42 = arith.constant 0 : i32
    %dma_start3A_43 = tpu.memref_slice %arg6[%dma_start3A_39, %dma_start3A_40, %dma_start3A_41, %dma_start3A_42] : memref<2x32x8x128xf32, #tpu.memory_space<vmem>> -> memref<1x32x8x128xf32, #tpu.memory_space<vmem>>
    %dma_start3A_44 = tpu.memref_squeeze %dma_start3A_43 : memref<1x32x8x128xf32, #tpu.memory_space<vmem>> -> memref<32x8x128xf32, #tpu.memory_space<vmem>>
    %dma_start3A_45 = arith.constant 64 : i32
    %dma_start3A_46 = tpu.memref_slice %arg5[%dma_start3A_45] : memref<128xi32, #tpu.memory_space<vmem>> -> memref<32xi32, #tpu.memory_space<vmem>>
    %dma_start3A_47 = arith.constant 0 : i32
    %dma_start3A_48 = arith.constant 0 : i32
    %dma_start3A_49 = arith.constant 0 : i32
    %dma_start3A_50 = tpu.memref_slice %arg2[%dma_start3A_47, %dma_start3A_48, %dma_start3A_49] : memref<1000x8x128xf32, #tpu.memory_space<hbm>> -> memref<1000x8x128xf32, #tpu.memory_space<hbm>>
    tpu.enqueue_indirect_dma source(%dma_start3A_50 : memref<1000x8x128xf32, #tpu.memory_space<hbm>>) target(%dma_start3A_44 : memref<32x8x128xf32, #tpu.memory_space<vmem>>) offsets(%dma_start3A_46 : memref<32xi32, #tpu.memory_space<vmem>>) semaphore(%arg7 : memref<!tpu.dma_semaphore, #tpu.memory_space<semaphore_mem>>)
    %dma_wait3A_51 = arith.constant 1 : i32
    %dma_wait3A_52 = arith.constant 0 : i32
    %dma_wait3A_53 = arith.constant 0 : i32
    %dma_wait3A_54 = arith.constant 0 : i32
    %dma_wait3A_55 = tpu.memref_slice %arg6[%dma_wait3A_51, %dma_wait3A_52, %dma_wait3A_53, %dma_wait3A_54] : memref<2x32x8x128xf32, #tpu.memory_space<vmem>> -> memref<1x32x8x128xf32, #tpu.memory_space<vmem>>
    %dma_wait3A_56 = tpu.memref_squeeze %dma_wait3A_55 : memref<1x32x8x128xf32, #tpu.memory_space<vmem>> -> memref<32x8x128xf32, #tpu.memory_space<vmem>>
    %dma_wait3A_57 = arith.constant 32 : i32
    %dma_wait3A_58 = tpu.memref_slice %arg5[%dma_wait3A_57] : memref<128xi32, #tpu.memory_space<vmem>> -> memref<32xi32, #tpu.memory_space<vmem>>
    %dma_wait3A_59 = arith.constant 0 : i32
    %dma_wait3A_60 = arith.constant 0 : i32
    %dma_wait3A_61 = arith.constant 0 : i32
    %dma_wait3A_62 = tpu.memref_slice %arg2[%dma_wait3A_59, %dma_wait3A_60, %dma_wait3A_61] : memref<1000x8x128xf32, #tpu.memory_space<hbm>> -> memref<1000x8x128xf32, #tpu.memory_space<hbm>>
    tpu.wait_indirect_dma semaphore(%arg8 : memref<!tpu.dma_semaphore, #tpu.memory_space<semaphore_mem>>) src(%dma_wait3A_62 : memref<1000x8x128xf32, #tpu.memory_space<hbm>>) dst(%dma_wait3A_56 : memref<32x8x128xf32, #tpu.memory_space<vmem>>)
    %add3A_63 = arith.constant 32 : i32
    %add3A_64 = arith.addi %mul3A_2, %add3A_63 : i32
    %run_scoped3A_65 = arith.constant 1 : i32
    "tpu.region"() ({
      %run_scoped3A_108 = tpu.sem_alloc : memref<!tpu.dma_semaphore, #tpu.memory_space<semaphore_mem>>
      %dma_start3A_109 = arith.constant 0 : i32
      %dma_start3A_110 = arith.constant 0 : i32
      %dma_start3A_111 = arith.constant 0 : i32
      %dma_start3A_112 = tpu.memref_slice %arg6[%run_scoped3A_65, %dma_start3A_109, %dma_start3A_110, %dma_start3A_111] : memref<2x32x8x128xf32, #tpu.memory_space<vmem>> -> memref<1x32x8x128xf32, #tpu.memory_space<vmem>>
      %dma_start3A_113 = tpu.memref_squeeze %dma_start3A_112 : memref<1x32x8x128xf32, #tpu.memory_space<vmem>> -> memref<32x8x128xf32, #tpu.memory_space<vmem>>
      %dma_start3A_114 = arith.constant 0 : i32
      %dma_start3A_115 = arith.constant 0 : i32
      %dma_start3A_116 = tpu.memref_slice %arg4[%add3A_64, %dma_start3A_114, %dma_start3A_115] : memref<4096x8x128xf32, #tpu.memory_space<hbm>> -> memref<32x8x128xf32, #tpu.memory_space<hbm>>
      %dma_start3A_117 = arith.constant 0 : i32
      %dma_start3A_118 = arith.constant 0 : i32
      %dma_start3A_119 = tpu.memref_slice %arg4[%add3A_64, %dma_start3A_117, %dma_start3A_118] : memref<4096x8x128xf32, #tpu.memory_space<hbm>> -> memref<32x8x128xf32, #tpu.memory_space<hbm>>
      %dma_start3A_120 = arith.constant 0 : i32
      %dma_start3A_121 = arith.constant 0 : i32
      %dma_start3A_122 = arith.constant 0 : i32
      %dma_start3A_123 = tpu.memref_slice %arg6[%run_scoped3A_65, %dma_start3A_120, %dma_start3A_121, %dma_start3A_122] : memref<2x32x8x128xf32, #tpu.memory_space<vmem>> -> memref<1x32x8x128xf32, #tpu.memory_space<vmem>>
      %dma_start3A_124 = tpu.memref_squeeze %dma_start3A_123 : memref<1x32x8x128xf32, #tpu.memory_space<vmem>> -> memref<32x8x128xf32, #tpu.memory_space<vmem>>
      tpu.enqueue_dma source(%dma_start3A_124 : memref<32x8x128xf32, #tpu.memory_space<vmem>>) target(%dma_start3A_119 : memref<32x8x128xf32, #tpu.memory_space<hbm>>) target_semaphore(%run_scoped3A_108 : memref<!tpu.dma_semaphore, #tpu.memory_space<semaphore_mem>>)
      %dma_wait3A_125 = arith.constant 0 : i32
      %dma_wait3A_126 = arith.constant 0 : i32
      %dma_wait3A_127 = arith.constant 0 : i32
      %dma_wait3A_128 = tpu.memref_slice %arg6[%run_scoped3A_65, %dma_wait3A_125, %dma_wait3A_126, %dma_wait3A_127] : memref<2x32x8x128xf32, #tpu.memory_space<vmem>> -> memref<1x32x8x128xf32, #tpu.memory_space<vmem>>
      %dma_wait3A_129 = tpu.memref_squeeze %dma_wait3A_128 : memref<1x32x8x128xf32, #tpu.memory_space<vmem>> -> memref<32x8x128xf32, #tpu.memory_space<vmem>>
      %dma_wait3A_130 = arith.constant 0 : i32
      %dma_wait3A_131 = arith.constant 0 : i32
      %dma_wait3A_132 = tpu.memref_slice %arg4[%add3A_64, %dma_wait3A_130, %dma_wait3A_131] : memref<4096x8x128xf32, #tpu.memory_space<hbm>> -> memref<32x8x128xf32, #tpu.memory_space<hbm>>
      %dma_wait3A_133 = arith.constant 0 : i32
      %dma_wait3A_134 = arith.constant 0 : i32
      %dma_wait3A_135 = tpu.memref_slice %arg4[%add3A_64, %dma_wait3A_133, %dma_wait3A_134] : memref<4096x8x128xf32, #tpu.memory_space<hbm>> -> memref<32x8x128xf32, #tpu.memory_space<hbm>>
      %dma_wait3A_136 = arith.constant 0 : i32
      %dma_wait3A_137 = arith.constant 0 : i32
      %dma_wait3A_138 = arith.constant 0 : i32
      %dma_wait3A_139 = tpu.memref_slice %arg6[%run_scoped3A_65, %dma_wait3A_136, %dma_wait3A_137, %dma_wait3A_138] : memref<2x32x8x128xf32, #tpu.memory_space<vmem>> -> memref<1x32x8x128xf32, #tpu.memory_space<vmem>>
      %dma_wait3A_140 = tpu.memref_squeeze %dma_wait3A_139 : memref<1x32x8x128xf32, #tpu.memory_space<vmem>> -> memref<32x8x128xf32, #tpu.memory_space<vmem>>
      tpu.wait_dma2 semaphore(%run_scoped3A_108 : memref<!tpu.dma_semaphore, #tpu.memory_space<semaphore_mem>>) src(%dma_wait3A_140 : memref<32x8x128xf32, #tpu.memory_space<vmem>>) dst(%dma_wait3A_135 : memref<32x8x128xf32, #tpu.memory_space<hbm>>)
      tpu.yield
    }) : () -> ()
    %dma_start3A_66 = arith.constant 1 : i32
    %dma_start3A_67 = arith.constant 0 : i32
    %dma_start3A_68 = arith.constant 0 : i32
    %dma_start3A_69 = arith.constant 0 : i32
    %dma_start3A_70 = tpu.memref_slice %arg6[%dma_start3A_66, %dma_start3A_67, %dma_start3A_68, %dma_start3A_69] : memref<2x32x8x128xf32, #tpu.memory_space<vmem>> -> memref<1x32x8x128xf32, #tpu.memory_space<vmem>>
    %dma_start3A_71 = tpu.memref_squeeze %dma_start3A_70 : memref<1x32x8x128xf32, #tpu.memory_space<vmem>> -> memref<32x8x128xf32, #tpu.memory_space<vmem>>
    %dma_start3A_72 = arith.constant 96 : i32
    %dma_start3A_73 = tpu.memref_slice %arg5[%dma_start3A_72] : memref<128xi32, #tpu.memory_space<vmem>> -> memref<32xi32, #tpu.memory_space<vmem>>
    %dma_start3A_74 = arith.constant 0 : i32
    %dma_start3A_75 = arith.constant 0 : i32
    %dma_start3A_76 = arith.constant 0 : i32
    %dma_start3A_77 = tpu.memref_slice %arg2[%dma_start3A_74, %dma_start3A_75, %dma_start3A_76] : memref<1000x8x128xf32, #tpu.memory_space<hbm>> -> memref<1000x8x128xf32, #tpu.memory_space<hbm>>
    tpu.enqueue_indirect_dma source(%dma_start3A_77 : memref<1000x8x128xf32, #tpu.memory_space<hbm>>) target(%dma_start3A_71 : memref<32x8x128xf32, #tpu.memory_space<vmem>>) offsets(%dma_start3A_73 : memref<32xi32, #tpu.memory_space<vmem>>) semaphore(%arg8 : memref<!tpu.dma_semaphore, #tpu.memory_space<semaphore_mem>>)
    %dma_wait3A_78 = arith.constant 0 : i32
    %dma_wait3A_79 = arith.constant 0 : i32
    %dma_wait3A_80 = arith.constant 0 : i32
    %dma_wait3A_81 = arith.constant 0 : i32
    %dma_wait3A_82 = tpu.memref_slice %arg6[%dma_wait3A_78, %dma_wait3A_79, %dma_wait3A_80, %dma_wait3A_81] : memref<2x32x8x128xf32, #tpu.memory_space<vmem>> -> memref<1x32x8x128xf32, #tpu.memory_space<vmem>>
    %dma_wait3A_83 = tpu.memref_squeeze %dma_wait3A_82 : memref<1x32x8x128xf32, #tpu.memory_space<vmem>> -> memref<32x8x128xf32, #tpu.memory_space<vmem>>
    %dma_wait3A_84 = arith.constant 64 : i32
    %dma_wait3A_85 = tpu.memref_slice %arg5[%dma_wait3A_84] : memref<128xi32, #tpu.memory_space<vmem>> -> memref<32xi32, #tpu.memory_space<vmem>>
    %dma_wait3A_86 = arith.constant 0 : i32
    %dma_wait3A_87 = arith.constant 0 : i32
    %dma_wait3A_88 = arith.constant 0 : i32
    %dma_wait3A_89 = tpu.memref_slice %arg2[%dma_wait3A_86, %dma_wait3A_87, %dma_wait3A_88] : memref<1000x8x128xf32, #tpu.memory_space<hbm>> -> memref<1000x8x128xf32, #tpu.memory_space<hbm>>
    tpu.wait_indirect_dma semaphore(%arg7 : memref<!tpu.dma_semaphore, #tpu.memory_space<semaphore_mem>>) src(%dma_wait3A_89 : memref<1000x8x128xf32, #tpu.memory_space<hbm>>) dst(%dma_wait3A_83 : memref<32x8x128xf32, #tpu.memory_space<vmem>>)
    %add3A_90 = arith.constant 64 : i32
    %add3A_91 = arith.addi %mul3A_2, %add3A_90 : i32
    %run_scoped3A_92 = arith.constant 0 : i32
    "tpu.region"() ({
      %run_scoped3A_108 = tpu.sem_alloc : memref<!tpu.dma_semaphore, #tpu.memory_space<semaphore_mem>>
      %dma_start3A_109 = arith.constant 0 : i32
      %dma_start3A_110 = arith.constant 0 : i32
      %dma_start3A_111 = arith.constant 0 : i32
      %dma_start3A_112 = tpu.memref_slice %arg6[%run_scoped3A_92, %dma_start3A_109, %dma_start3A_110, %dma_start3A_111] : memref<2x32x8x128xf32, #tpu.memory_space<vmem>> -> memref<1x32x8x128xf32, #tpu.memory_space<vmem>>
      %dma_start3A_113 = tpu.memref_squeeze %dma_start3A_112 : memref<1x32x8x128xf32, #tpu.memory_space<vmem>> -> memref<32x8x128xf32, #tpu.memory_space<vmem>>
      %dma_start3A_114 = arith.constant 0 : i32
      %dma_start3A_115 = arith.constant 0 : i32
      %dma_start3A_116 = tpu.memref_slice %arg4[%add3A_91, %dma_start3A_114, %dma_start3A_115] : memref<4096x8x128xf32, #tpu.memory_space<hbm>> -> memref<32x8x128xf32, #tpu.memory_space<hbm>>
      %dma_start3A_117 = arith.constant 0 : i32
      %dma_start3A_118 = arith.constant 0 : i32
      %dma_start3A_119 = tpu.memref_slice %arg4[%add3A_91, %dma_start3A_117, %dma_start3A_118] : memref<4096x8x128xf32, #tpu.memory_space<hbm>> -> memref<32x8x128xf32, #tpu.memory_space<hbm>>
      %dma_start3A_120 = arith.constant 0 : i32
      %dma_start3A_121 = arith.constant 0 : i32
      %dma_start3A_122 = arith.constant 0 : i32
      %dma_start3A_123 = tpu.memref_slice %arg6[%run_scoped3A_92, %dma_start3A_120, %dma_start3A_121, %dma_start3A_122] : memref<2x32x8x128xf32, #tpu.memory_space<vmem>> -> memref<1x32x8x128xf32, #tpu.memory_space<vmem>>
      %dma_start3A_124 = tpu.memref_squeeze %dma_start3A_123 : memref<1x32x8x128xf32, #tpu.memory_space<vmem>> -> memref<32x8x128xf32, #tpu.memory_space<vmem>>
      tpu.enqueue_dma source(%dma_start3A_124 : memref<32x8x128xf32, #tpu.memory_space<vmem>>) target(%dma_start3A_119 : memref<32x8x128xf32, #tpu.memory_space<hbm>>) target_semaphore(%run_scoped3A_108 : memref<!tpu.dma_semaphore, #tpu.memory_space<semaphore_mem>>)
      %dma_wait3A_125 = arith.constant 0 : i32
      %dma_wait3A_126 = arith.constant 0 : i32
      %dma_wait3A_127 = arith.constant 0 : i32
      %dma_wait3A_128 = tpu.memref_slice %arg6[%run_scoped3A_92, %dma_wait3A_125, %dma_wait3A_126, %dma_wait3A_127] : memref<2x32x8x128xf32, #tpu.memory_space<vmem>> -> memref<1x32x8x128xf32, #tpu.memory_space<vmem>>
      %dma_wait3A_129 = tpu.memref_squeeze %dma_wait3A_128 : memref<1x32x8x128xf32, #tpu.memory_space<vmem>> -> memref<32x8x128xf32, #tpu.memory_space<vmem>>
      %dma_wait3A_130 = arith.constant 0 : i32
      %dma_wait3A_131 = arith.constant 0 : i32
      %dma_wait3A_132 = tpu.memref_slice %arg4[%add3A_91, %dma_wait3A_130, %dma_wait3A_131] : memref<4096x8x128xf32, #tpu.memory_space<hbm>> -> memref<32x8x128xf32, #tpu.memory_space<hbm>>
      %dma_wait3A_133 = arith.constant 0 : i32
      %dma_wait3A_134 = arith.constant 0 : i32
      %dma_wait3A_135 = tpu.memref_slice %arg4[%add3A_91, %dma_wait3A_133, %dma_wait3A_134] : memref<4096x8x128xf32, #tpu.memory_space<hbm>> -> memref<32x8x128xf32, #tpu.memory_space<hbm>>
      %dma_wait3A_136 = arith.constant 0 : i32
      %dma_wait3A_137 = arith.constant 0 : i32
      %dma_wait3A_138 = arith.constant 0 : i32
      %dma_wait3A_139 = tpu.memref_slice %arg6[%run_scoped3A_92, %dma_wait3A_136, %dma_wait3A_137, %dma_wait3A_138] : memref<2x32x8x128xf32, #tpu.memory_space<vmem>> -> memref<1x32x8x128xf32, #tpu.memory_space<vmem>>
      %dma_wait3A_140 = tpu.memref_squeeze %dma_wait3A_139 : memref<1x32x8x128xf32, #tpu.memory_space<vmem>> -> memref<32x8x128xf32, #tpu.memory_space<vmem>>
      tpu.wait_dma2 semaphore(%run_scoped3A_108 : memref<!tpu.dma_semaphore, #tpu.memory_space<semaphore_mem>>) src(%dma_wait3A_140 : memref<32x8x128xf32, #tpu.memory_space<vmem>>) dst(%dma_wait3A_135 : memref<32x8x128xf32, #tpu.memory_space<hbm>>)
      tpu.yield
    }) : () -> ()
    %dma_wait3A_93 = arith.constant 1 : i32
    %dma_wait3A_94 = arith.constant 0 : i32
    %dma_wait3A_95 = arith.constant 0 : i32
    %dma_wait3A_96 = arith.constant 0 : i32
    %dma_wait3A_97 = tpu.memref_slice %arg6[%dma_wait3A_93, %dma_wait3A_94, %dma_wait3A_95, %dma_wait3A_96] : memref<2x32x8x128xf32, #tpu.memory_space<vmem>> -> memref<1x32x8x128xf32, #tpu.memory_space<vmem>>
    %dma_wait3A_98 = tpu.memref_squeeze %dma_wait3A_97 : memref<1x32x8x128xf32, #tpu.memory_space<vmem>> -> memref<32x8x128xf32, #tpu.memory_space<vmem>>
    %dma_wait3A_99 = arith.constant 96 : i32
    %dma_wait3A_100 = tpu.memref_slice %arg5[%dma_wait3A_99] : memref<128xi32, #tpu.memory_space<vmem>> -> memref<32xi32, #tpu.memory_space<vmem>>
    %dma_wait3A_101 = arith.constant 0 : i32
    %dma_wait3A_102 = arith.constant 0 : i32
    %dma_wait3A_103 = arith.constant 0 : i32
    %dma_wait3A_104 = tpu.memref_slice %arg2[%dma_wait3A_101, %dma_wait3A_102, %dma_wait3A_103] : memref<1000x8x128xf32, #tpu.memory_space<hbm>> -> memref<1000x8x128xf32, #tpu.memory_space<hbm>>
    tpu.wait_indirect_dma semaphore(%arg8 : memref<!tpu.dma_semaphore, #tpu.memory_space<semaphore_mem>>) src(%dma_wait3A_104 : memref<1000x8x128xf32, #tpu.memory_space<hbm>>) dst(%dma_wait3A_98 : memref<32x8x128xf32, #tpu.memory_space<vmem>>)
    %add3A_105 = arith.constant 96 : i32
    %add3A_106 = arith.addi %mul3A_2, %add3A_105 : i32
    %run_scoped3A_107 = arith.constant 1 : i32
    "tpu.region"() ({
      %run_scoped3A_108 = tpu.sem_alloc : memref<!tpu.dma_semaphore, #tpu.memory_space<semaphore_mem>>
      %dma_start3A_109 = arith.constant 0 : i32
      %dma_start3A_110 = arith.constant 0 : i32
      %dma_start3A_111 = arith.constant 0 : i32
      %dma_start3A_112 = tpu.memref_slice %arg6[%run_scoped3A_107, %dma_start3A_109, %dma_start3A_110, %dma_start3A_111] : memref<2x32x8x128xf32, #tpu.memory_space<vmem>> -> memref<1x32x8x128xf32, #tpu.memory_space<vmem>>
      %dma_start3A_113 = tpu.memref_squeeze %dma_start3A_112 : memref<1x32x8x128xf32, #tpu.memory_space<vmem>> -> memref<32x8x128xf32, #tpu.memory_space<vmem>>
      %dma_start3A_114 = arith.constant 0 : i32
      %dma_start3A_115 = arith.constant 0 : i32
      %dma_start3A_116 = tpu.memref_slice %arg4[%add3A_106, %dma_start3A_114, %dma_start3A_115] : memref<4096x8x128xf32, #tpu.memory_space<hbm>> -> memref<32x8x128xf32, #tpu.memory_space<hbm>>
      %dma_start3A_117 = arith.constant 0 : i32
      %dma_start3A_118 = arith.constant 0 : i32
      %dma_start3A_119 = tpu.memref_slice %arg4[%add3A_106, %dma_start3A_117, %dma_start3A_118] : memref<4096x8x128xf32, #tpu.memory_space<hbm>> -> memref<32x8x128xf32, #tpu.memory_space<hbm>>
      %dma_start3A_120 = arith.constant 0 : i32
      %dma_start3A_121 = arith.constant 0 : i32
      %dma_start3A_122 = arith.constant 0 : i32
      %dma_start3A_123 = tpu.memref_slice %arg6[%run_scoped3A_107, %dma_start3A_120, %dma_start3A_121, %dma_start3A_122] : memref<2x32x8x128xf32, #tpu.memory_space<vmem>> -> memref<1x32x8x128xf32, #tpu.memory_space<vmem>>
      %dma_start3A_124 = tpu.memref_squeeze %dma_start3A_123 : memref<1x32x8x128xf32, #tpu.memory_space<vmem>> -> memref<32x8x128xf32, #tpu.memory_space<vmem>>
      tpu.enqueue_dma source(%dma_start3A_124 : memref<32x8x128xf32, #tpu.memory_space<vmem>>) target(%dma_start3A_119 : memref<32x8x128xf32, #tpu.memory_space<hbm>>) target_semaphore(%run_scoped3A_108 : memref<!tpu.dma_semaphore, #tpu.memory_space<semaphore_mem>>)
      %dma_wait3A_125 = arith.constant 0 : i32
      %dma_wait3A_126 = arith.constant 0 : i32
      %dma_wait3A_127 = arith.constant 0 : i32
      %dma_wait3A_128 = tpu.memref_slice %arg6[%run_scoped3A_107, %dma_wait3A_125, %dma_wait3A_126, %dma_wait3A_127] : memref<2x32x8x128xf32, #tpu.memory_space<vmem>> -> memref<1x32x8x128xf32, #tpu.memory_space<vmem>>
      %dma_wait3A_129 = tpu.memref_squeeze %dma_wait3A_128 : memref<1x32x8x128xf32, #tpu.memory_space<vmem>> -> memref<32x8x128xf32, #tpu.memory_space<vmem>>
      %dma_wait3A_130 = arith.constant 0 : i32
      %dma_wait3A_131 = arith.constant 0 : i32
      %dma_wait3A_132 = tpu.memref_slice %arg4[%add3A_106, %dma_wait3A_130, %dma_wait3A_131] : memref<4096x8x128xf32, #tpu.memory_space<hbm>> -> memref<32x8x128xf32, #tpu.memory_space<hbm>>
      %dma_wait3A_133 = arith.constant 0 : i32
      %dma_wait3A_134 = arith.constant 0 : i32
      %dma_wait3A_135 = tpu.memref_slice %arg4[%add3A_106, %dma_wait3A_133, %dma_wait3A_134] : memref<4096x8x128xf32, #tpu.memory_space<hbm>> -> memref<32x8x128xf32, #tpu.memory_space<hbm>>
      %dma_wait3A_136 = arith.constant 0 : i32
      %dma_wait3A_137 = arith.constant 0 : i32
      %dma_wait3A_138 = arith.constant 0 : i32
      %dma_wait3A_139 = tpu.memref_slice %arg6[%run_scoped3A_107, %dma_wait3A_136, %dma_wait3A_137, %dma_wait3A_138] : memref<2x32x8x128xf32, #tpu.memory_space<vmem>> -> memref<1x32x8x128xf32, #tpu.memory_space<vmem>>
      %dma_wait3A_140 = tpu.memref_squeeze %dma_wait3A_139 : memref<1x32x8x128xf32, #tpu.memory_space<vmem>> -> memref<32x8x128xf32, #tpu.memory_space<vmem>>
      tpu.wait_dma2 semaphore(%run_scoped3A_108 : memref<!tpu.dma_semaphore, #tpu.memory_space<semaphore_mem>>) src(%dma_wait3A_140 : memref<32x8x128xf32, #tpu.memory_space<vmem>>) dst(%dma_wait3A_135 : memref<32x8x128xf32, #tpu.memory_space<hbm>>)
      tpu.yield
    }) : () -> ()
    return
  }
}

module attributes {stable_mosaic.version = 14 : i64} {
  func.func @_topk_body(%arg0: i32, %arg1: memref<1024x128xf32, #tpu.memory_space<vmem>>, %arg2: memref<1000x128xf32, #tpu.memory_space<vmem>>, %arg3: memref<32x128xi32, #tpu.memory_space<vmem>>, %arg4: memref<1x1x128xf32, #tpu.memory_space<vmem>>) attributes {dimension_semantics = [#tpu.dimension_semantics<arbitrary>], iteration_bounds = array<i64: 1>, scalar_prefetch = 0 : i64, scratch_operands = 0 : i64, tpu.core_type = #tpu.core_type<tc>, window_params = [{transform_indices = @transform_0, window_bounds = array<i64: 1024, 128>}, {pipeline_mode = #tpu.pipeline_mode<synchronous>, transform_indices = @transform_1, window_bounds = array<i64: 1000, 128>}, {transform_indices = @transform_2, window_bounds = array<i64: 32, 128>}, {transform_indices = @transform_3, window_bounds = array<i64: 1, 1, 128>}]} {
    %get3A = arith.constant 0 : index
    %get3A_0 = arith.constant 0 : index
    %get3A_1 = vector.load %arg1[%get3A, %get3A_0] : memref<1024x128xf32, #tpu.memory_space<vmem>>, vector<1024x128xf32>
    %get3A_2 = arith.constant 0 : index
    %get3A_3 = arith.constant 0 : index
    %get3A_4 = vector.load %arg2[%get3A_2, %get3A_3] : memref<1000x128xf32, #tpu.memory_space<vmem>>, vector<1000x128xf32>
    %broadcast_in_dim3A = arith.constant 0.000000e+00 : f32
    %broadcast_in_dim3A_5 = vector.broadcast %broadcast_in_dim3A : f32 to vector<24x128xf32>
    %concatenate3A = tpu.concatenate %get3A_4, %broadcast_in_dim3A_5 in 0 : vector<1000x128xf32>, vector<24x128xf32> -> vector<1024x128xf32>
    %mul3A = arith.mulf %get3A_1, %get3A_1 : vector<1024x128xf32>
    %reduce_sum3A = arith.constant dense<0.000000e+00> : vector<1024xf32>
    %reduce_sum3A_6 = vector.multi_reduction <add>, %mul3A, %reduce_sum3A [1] : vector<1024x128xf32> to vector<1024xf32>
    %broadcast_in_dim3A_7 = vector.shape_cast %reduce_sum3A_6 : vector<1024xf32> to vector<1024x1xf32>
    %mul3A_8 = arith.mulf %get3A_4, %get3A_4 : vector<1000x128xf32>
    %reduce_sum3A_9 = arith.constant dense<0.000000e+00> : vector<1000xf32>
    %reduce_sum3A_10 = vector.multi_reduction <add>, %mul3A_8, %reduce_sum3A_9 [1] : vector<1000x128xf32> to vector<1000xf32>
    %broadcast_in_dim3A_11 = vector.shape_cast %reduce_sum3A_10 : vector<1000xf32> to vector<1x1000xf32>
    %broadcast_in_dim3A_12 = arith.constant 1.000000e+30 : f32
    %broadcast_in_dim3A_13 = vector.broadcast %broadcast_in_dim3A_12 : f32 to vector<1x24xf32>
    %concatenate3A_14 = tpu.concatenate %broadcast_in_dim3A_11, %broadcast_in_dim3A_13 in 1 : vector<1x1000xf32>, vector<1x24xf32> -> vector<1x1024xf32>
    %dot_general3A = arith.constant dense<0.000000e+00> : vector<1024x1024xf32>
    %dot_general3A_15 = tpu.matmul %get3A_1, %concatenate3A, %dot_general3A {dimension_numbers = #tpu.dot_dimension_numbers<[1], [1], [0], [0], [0, 0, 1, 0], [], []>, transpose_lhs_hint = false} : vector<1024x128xf32>, vector<1024x128xf32>, vector<1024x1024xf32> -> vector<1024x1024xf32>
    %add3A = vector.broadcast %broadcast_in_dim3A_7 : vector<1024x1xf32> to vector<1024x1024xf32>
    %add3A_16 = vector.broadcast %concatenate3A_14 : vector<1x1024xf32> to vector<1024x1024xf32>
    %add3A_17 = arith.addf %add3A, %add3A_16 : vector<1024x1024xf32>
    %mul3A_18 = arith.constant 2.000000e+00 : f32
    %mul3A_19 = vector.broadcast %mul3A_18 : f32 to vector<1024x1024xf32>
    %mul3A_20 = arith.mulf %mul3A_19, %dot_general3A_15 : vector<1024x1024xf32>
    %sub3A = arith.subf %add3A_17, %mul3A_20 : vector<1024x1024xf32>
    %max3A = arith.constant 0.000000e+00 : f32
    %max3A_21 = vector.broadcast %max3A : f32 to vector<1024x1024xf32>
    %max3A_22 = arith.maximumf %sub3A, %max3A_21 : vector<1024x1024xf32>
    %iota3A = tpu.iota {dimensions = array<i32: 1>} : vector<1024x1024xi32>
    %convert_element_type3A = arith.sitofp %iota3A : vector<1024x1024xi32> to vector<1024x1024xf32>
    %iota3A_23 = tpu.iota {dimensions = array<i32: 1>} : vector<1024x128xi32>
    %convert_element_type3A_24 = arith.sitofp %iota3A_23 : vector<1024x128xi32> to vector<1024x128xf32>
    %slice3A = vector.extract_strided_slice %max3A_22 {offsets = [0, 0], sizes = [1024, 128], strides = [1, 1]} : vector<1024x1024xf32> to vector<1024x128xf32>
    %slice3A_25 = vector.extract_strided_slice %max3A_22 {offsets = [0, 128], sizes = [1024, 128], strides = [1, 1]} : vector<1024x1024xf32> to vector<1024x128xf32>
    %lt3A = arith.cmpf olt, %slice3A_25, %slice3A : vector<1024x128xf32>
    %select_n3A = arith.select %lt3A, %slice3A_25, %slice3A : vector<1024x128xi1>, vector<1024x128xf32>
    %add3A_26 = arith.constant 1.280000e+02 : f32
    %add3A_27 = vector.broadcast %add3A_26 : f32 to vector<1024x128xf32>
    %add3A_28 = arith.addf %convert_element_type3A_24, %add3A_27 : vector<1024x128xf32>
    %select_n3A_29 = arith.select %lt3A, %add3A_28, %convert_element_type3A_24 : vector<1024x128xi1>, vector<1024x128xf32>
    %slice3A_30 = vector.extract_strided_slice %max3A_22 {offsets = [0, 256], sizes = [1024, 128], strides = [1, 1]} : vector<1024x1024xf32> to vector<1024x128xf32>
    %lt3A_31 = arith.cmpf olt, %slice3A_30, %select_n3A : vector<1024x128xf32>
    %select_n3A_32 = arith.select %lt3A_31, %slice3A_30, %select_n3A : vector<1024x128xi1>, vector<1024x128xf32>
    %add3A_33 = arith.constant 2.560000e+02 : f32
    %add3A_34 = vector.broadcast %add3A_33 : f32 to vector<1024x128xf32>
    %add3A_35 = arith.addf %convert_element_type3A_24, %add3A_34 : vector<1024x128xf32>
    %select_n3A_36 = arith.select %lt3A_31, %add3A_35, %select_n3A_29 : vector<1024x128xi1>, vector<1024x128xf32>
    %slice3A_37 = vector.extract_strided_slice %max3A_22 {offsets = [0, 384], sizes = [1024, 128], strides = [1, 1]} : vector<1024x1024xf32> to vector<1024x128xf32>
    %lt3A_38 = arith.cmpf olt, %slice3A_37, %select_n3A_32 : vector<1024x128xf32>
    %select_n3A_39 = arith.select %lt3A_38, %slice3A_37, %select_n3A_32 : vector<1024x128xi1>, vector<1024x128xf32>
    %add3A_40 = arith.constant 3.840000e+02 : f32
    %add3A_41 = vector.broadcast %add3A_40 : f32 to vector<1024x128xf32>
    %add3A_42 = arith.addf %convert_element_type3A_24, %add3A_41 : vector<1024x128xf32>
    %select_n3A_43 = arith.select %lt3A_38, %add3A_42, %select_n3A_36 : vector<1024x128xi1>, vector<1024x128xf32>
    %slice3A_44 = vector.extract_strided_slice %max3A_22 {offsets = [0, 512], sizes = [1024, 128], strides = [1, 1]} : vector<1024x1024xf32> to vector<1024x128xf32>
    %lt3A_45 = arith.cmpf olt, %slice3A_44, %select_n3A_39 : vector<1024x128xf32>
    %select_n3A_46 = arith.select %lt3A_45, %slice3A_44, %select_n3A_39 : vector<1024x128xi1>, vector<1024x128xf32>
    %add3A_47 = arith.constant 5.120000e+02 : f32
    %add3A_48 = vector.broadcast %add3A_47 : f32 to vector<1024x128xf32>
    %add3A_49 = arith.addf %convert_element_type3A_24, %add3A_48 : vector<1024x128xf32>
    %select_n3A_50 = arith.select %lt3A_45, %add3A_49, %select_n3A_43 : vector<1024x128xi1>, vector<1024x128xf32>
    %slice3A_51 = vector.extract_strided_slice %max3A_22 {offsets = [0, 640], sizes = [1024, 128], strides = [1, 1]} : vector<1024x1024xf32> to vector<1024x128xf32>
    %lt3A_52 = arith.cmpf olt, %slice3A_51, %select_n3A_46 : vector<1024x128xf32>
    %select_n3A_53 = arith.select %lt3A_52, %slice3A_51, %select_n3A_46 : vector<1024x128xi1>, vector<1024x128xf32>
    %add3A_54 = arith.constant 6.400000e+02 : f32
    %add3A_55 = vector.broadcast %add3A_54 : f32 to vector<1024x128xf32>
    %add3A_56 = arith.addf %convert_element_type3A_24, %add3A_55 : vector<1024x128xf32>
    %select_n3A_57 = arith.select %lt3A_52, %add3A_56, %select_n3A_50 : vector<1024x128xi1>, vector<1024x128xf32>
    %slice3A_58 = vector.extract_strided_slice %max3A_22 {offsets = [0, 768], sizes = [1024, 128], strides = [1, 1]} : vector<1024x1024xf32> to vector<1024x128xf32>
    %lt3A_59 = arith.cmpf olt, %slice3A_58, %select_n3A_53 : vector<1024x128xf32>
    %select_n3A_60 = arith.select %lt3A_59, %slice3A_58, %select_n3A_53 : vector<1024x128xi1>, vector<1024x128xf32>
    %add3A_61 = arith.constant 7.680000e+02 : f32
    %add3A_62 = vector.broadcast %add3A_61 : f32 to vector<1024x128xf32>
    %add3A_63 = arith.addf %convert_element_type3A_24, %add3A_62 : vector<1024x128xf32>
    %select_n3A_64 = arith.select %lt3A_59, %add3A_63, %select_n3A_57 : vector<1024x128xi1>, vector<1024x128xf32>
    %slice3A_65 = vector.extract_strided_slice %max3A_22 {offsets = [0, 896], sizes = [1024, 128], strides = [1, 1]} : vector<1024x1024xf32> to vector<1024x128xf32>
    %lt3A_66 = arith.cmpf olt, %slice3A_65, %select_n3A_60 : vector<1024x128xf32>
    %select_n3A_67 = arith.select %lt3A_66, %slice3A_65, %select_n3A_60 : vector<1024x128xi1>, vector<1024x128xf32>
    %add3A_68 = arith.constant 8.960000e+02 : f32
    %add3A_69 = vector.broadcast %add3A_68 : f32 to vector<1024x128xf32>
    %add3A_70 = arith.addf %convert_element_type3A_24, %add3A_69 : vector<1024x128xf32>
    %select_n3A_71 = arith.select %lt3A_66, %add3A_70, %select_n3A_64 : vector<1024x128xi1>, vector<1024x128xf32>
    %reduce_min3A = arith.constant dense<0x7F800000> : vector<1024xf32>
    %reduce_min3A_72 = vector.multi_reduction <minimumf>, %select_n3A_67, %reduce_min3A [1] : vector<1024x128xf32> to vector<1024xf32>
    %broadcast_in_dim3A_73 = vector.shape_cast %reduce_min3A_72 : vector<1024xf32> to vector<1024x1xf32>
    %eq3A = vector.broadcast %broadcast_in_dim3A_73 : vector<1024x1xf32> to vector<1024x128xf32>
    %eq3A_74 = arith.cmpf oeq, %select_n3A_67, %eq3A : vector<1024x128xf32>
    %jit3A = arith.constant 1.000000e+30 : f32
    %broadcast_in_dim3A_75 = vector.broadcast %jit3A : f32 to vector<1024x128xf32>
    %select_n3A_76 = arith.select %eq3A_74, %select_n3A_71, %broadcast_in_dim3A_75 : vector<1024x128xi1>, vector<1024x128xf32>
    %reduce_min3A_77 = arith.constant dense<0x7F800000> : vector<1024xf32>
    %reduce_min3A_78 = vector.multi_reduction <minimumf>, %select_n3A_76, %reduce_min3A_77 [1] : vector<1024x128xf32> to vector<1024xf32>
    %broadcast_in_dim3A_79 = vector.shape_cast %reduce_min3A_78 : vector<1024xf32> to vector<1024x1xf32>
    %sqrt3A = math.sqrt %broadcast_in_dim3A_73 : vector<1024x1xf32>
    %reduce_sum3A_80 = vector.shape_cast %sqrt3A : vector<1024x1xf32> to vector<1x1024x1xf32>
    %reduce_sum3A_81 = arith.constant dense<0.000000e+00> : vector<1xf32>
    %reduce_sum3A_82 = vector.multi_reduction <add>, %reduce_sum3A_80, %reduce_sum3A_81 [1, 2] : vector<1x1024x1xf32> to vector<1xf32>
    %reduce_sum3A_83 = vector.shape_cast %reduce_sum3A_82 : vector<1xf32> to vector<1x1x1xf32>
    %reduce_sum3A_84 = vector.extract %reduce_sum3A_83[0, 0, 0] : f32 from vector<1x1x1xf32>
    %add3A_85 = arith.constant 0.000000e+00 : f32
    %add3A_86 = arith.addf %add3A_85, %reduce_sum3A_84 : f32
    %eq3A_87 = vector.broadcast %broadcast_in_dim3A_79 : vector<1024x1xf32> to vector<1024x1024xf32>
    %eq3A_88 = arith.cmpf oeq, %convert_element_type3A, %eq3A_87 : vector<1024x1024xf32>
    %jit3A_89 = arith.constant 1.000000e+30 : f32
    %broadcast_in_dim3A_90 = vector.broadcast %jit3A_89 : f32 to vector<1024x1024xf32>
    %select_n3A_91 = arith.select %eq3A_88, %broadcast_in_dim3A_90, %max3A_22 : vector<1024x1024xi1>, vector<1024x1024xf32>
    %slice3A_92 = vector.extract_strided_slice %select_n3A_91 {offsets = [0, 0], sizes = [1024, 128], strides = [1, 1]} : vector<1024x1024xf32> to vector<1024x128xf32>
    %slice3A_93 = vector.extract_strided_slice %select_n3A_91 {offsets = [0, 128], sizes = [1024, 128], strides = [1, 1]} : vector<1024x1024xf32> to vector<1024x128xf32>
    %lt3A_94 = arith.cmpf olt, %slice3A_93, %slice3A_92 : vector<1024x128xf32>
    %select_n3A_95 = arith.select %lt3A_94, %slice3A_93, %slice3A_92 : vector<1024x128xi1>, vector<1024x128xf32>
    %add3A_96 = arith.constant 1.280000e+02 : f32
    %add3A_97 = vector.broadcast %add3A_96 : f32 to vector<1024x128xf32>
    %add3A_98 = arith.addf %convert_element_type3A_24, %add3A_97 : vector<1024x128xf32>
    %select_n3A_99 = arith.select %lt3A_94, %add3A_98, %convert_element_type3A_24 : vector<1024x128xi1>, vector<1024x128xf32>
    %slice3A_100 = vector.extract_strided_slice %select_n3A_91 {offsets = [0, 256], sizes = [1024, 128], strides = [1, 1]} : vector<1024x1024xf32> to vector<1024x128xf32>
    %lt3A_101 = arith.cmpf olt, %slice3A_100, %select_n3A_95 : vector<1024x128xf32>
    %select_n3A_102 = arith.select %lt3A_101, %slice3A_100, %select_n3A_95 : vector<1024x128xi1>, vector<1024x128xf32>
    %add3A_103 = arith.constant 2.560000e+02 : f32
    %add3A_104 = vector.broadcast %add3A_103 : f32 to vector<1024x128xf32>
    %add3A_105 = arith.addf %convert_element_type3A_24, %add3A_104 : vector<1024x128xf32>
    %select_n3A_106 = arith.select %lt3A_101, %add3A_105, %select_n3A_99 : vector<1024x128xi1>, vector<1024x128xf32>
    %slice3A_107 = vector.extract_strided_slice %select_n3A_91 {offsets = [0, 384], sizes = [1024, 128], strides = [1, 1]} : vector<1024x1024xf32> to vector<1024x128xf32>
    %lt3A_108 = arith.cmpf olt, %slice3A_107, %select_n3A_102 : vector<1024x128xf32>
    %select_n3A_109 = arith.select %lt3A_108, %slice3A_107, %select_n3A_102 : vector<1024x128xi1>, vector<1024x128xf32>
    %add3A_110 = arith.constant 3.840000e+02 : f32
    %add3A_111 = vector.broadcast %add3A_110 : f32 to vector<1024x128xf32>
    %add3A_112 = arith.addf %convert_element_type3A_24, %add3A_111 : vector<1024x128xf32>
    %select_n3A_113 = arith.select %lt3A_108, %add3A_112, %select_n3A_106 : vector<1024x128xi1>, vector<1024x128xf32>
    %slice3A_114 = vector.extract_strided_slice %select_n3A_91 {offsets = [0, 512], sizes = [1024, 128], strides = [1, 1]} : vector<1024x1024xf32> to vector<1024x128xf32>
    %lt3A_115 = arith.cmpf olt, %slice3A_114, %select_n3A_109 : vector<1024x128xf32>
    %select_n3A_116 = arith.select %lt3A_115, %slice3A_114, %select_n3A_109 : vector<1024x128xi1>, vector<1024x128xf32>
    %add3A_117 = arith.constant 5.120000e+02 : f32
    %add3A_118 = vector.broadcast %add3A_117 : f32 to vector<1024x128xf32>
    %add3A_119 = arith.addf %convert_element_type3A_24, %add3A_118 : vector<1024x128xf32>
    %select_n3A_120 = arith.select %lt3A_115, %add3A_119, %select_n3A_113 : vector<1024x128xi1>, vector<1024x128xf32>
    %slice3A_121 = vector.extract_strided_slice %select_n3A_91 {offsets = [0, 640], sizes = [1024, 128], strides = [1, 1]} : vector<1024x1024xf32> to vector<1024x128xf32>
    %lt3A_122 = arith.cmpf olt, %slice3A_121, %select_n3A_116 : vector<1024x128xf32>
    %select_n3A_123 = arith.select %lt3A_122, %slice3A_121, %select_n3A_116 : vector<1024x128xi1>, vector<1024x128xf32>
    %add3A_124 = arith.constant 6.400000e+02 : f32
    %add3A_125 = vector.broadcast %add3A_124 : f32 to vector<1024x128xf32>
    %add3A_126 = arith.addf %convert_element_type3A_24, %add3A_125 : vector<1024x128xf32>
    %select_n3A_127 = arith.select %lt3A_122, %add3A_126, %select_n3A_120 : vector<1024x128xi1>, vector<1024x128xf32>
    %slice3A_128 = vector.extract_strided_slice %select_n3A_91 {offsets = [0, 768], sizes = [1024, 128], strides = [1, 1]} : vector<1024x1024xf32> to vector<1024x128xf32>
    %lt3A_129 = arith.cmpf olt, %slice3A_128, %select_n3A_123 : vector<1024x128xf32>
    %select_n3A_130 = arith.select %lt3A_129, %slice3A_128, %select_n3A_123 : vector<1024x128xi1>, vector<1024x128xf32>
    %add3A_131 = arith.constant 7.680000e+02 : f32
    %add3A_132 = vector.broadcast %add3A_131 : f32 to vector<1024x128xf32>
    %add3A_133 = arith.addf %convert_element_type3A_24, %add3A_132 : vector<1024x128xf32>
    %select_n3A_134 = arith.select %lt3A_129, %add3A_133, %select_n3A_127 : vector<1024x128xi1>, vector<1024x128xf32>
    %slice3A_135 = vector.extract_strided_slice %select_n3A_91 {offsets = [0, 896], sizes = [1024, 128], strides = [1, 1]} : vector<1024x1024xf32> to vector<1024x128xf32>
    %lt3A_136 = arith.cmpf olt, %slice3A_135, %select_n3A_130 : vector<1024x128xf32>
    %select_n3A_137 = arith.select %lt3A_136, %slice3A_135, %select_n3A_130 : vector<1024x128xi1>, vector<1024x128xf32>
    %add3A_138 = arith.constant 8.960000e+02 : f32
    %add3A_139 = vector.broadcast %add3A_138 : f32 to vector<1024x128xf32>
    %add3A_140 = arith.addf %convert_element_type3A_24, %add3A_139 : vector<1024x128xf32>
    %select_n3A_141 = arith.select %lt3A_136, %add3A_140, %select_n3A_134 : vector<1024x128xi1>, vector<1024x128xf32>
    %reduce_min3A_142 = arith.constant dense<0x7F800000> : vector<1024xf32>
    %reduce_min3A_143 = vector.multi_reduction <minimumf>, %select_n3A_137, %reduce_min3A_142 [1] : vector<1024x128xf32> to vector<1024xf32>
    %broadcast_in_dim3A_144 = vector.shape_cast %reduce_min3A_143 : vector<1024xf32> to vector<1024x1xf32>
    %eq3A_145 = vector.broadcast %broadcast_in_dim3A_144 : vector<1024x1xf32> to vector<1024x128xf32>
    %eq3A_146 = arith.cmpf oeq, %select_n3A_137, %eq3A_145 : vector<1024x128xf32>
    %jit3A_147 = arith.constant 1.000000e+30 : f32
    %broadcast_in_dim3A_148 = vector.broadcast %jit3A_147 : f32 to vector<1024x128xf32>
    %select_n3A_149 = arith.select %eq3A_146, %select_n3A_141, %broadcast_in_dim3A_148 : vector<1024x128xi1>, vector<1024x128xf32>
    %reduce_min3A_150 = arith.constant dense<0x7F800000> : vector<1024xf32>
    %reduce_min3A_151 = vector.multi_reduction <minimumf>, %select_n3A_149, %reduce_min3A_150 [1] : vector<1024x128xf32> to vector<1024xf32>
    %broadcast_in_dim3A_152 = vector.shape_cast %reduce_min3A_151 : vector<1024xf32> to vector<1024x1xf32>
    %sqrt3A_153 = math.sqrt %broadcast_in_dim3A_144 : vector<1024x1xf32>
    %reduce_sum3A_154 = vector.shape_cast %sqrt3A_153 : vector<1024x1xf32> to vector<1x1024x1xf32>
    %reduce_sum3A_155 = arith.constant dense<0.000000e+00> : vector<1xf32>
    %reduce_sum3A_156 = vector.multi_reduction <add>, %reduce_sum3A_154, %reduce_sum3A_155 [1, 2] : vector<1x1024x1xf32> to vector<1xf32>
    %reduce_sum3A_157 = vector.shape_cast %reduce_sum3A_156 : vector<1xf32> to vector<1x1x1xf32>
    %reduce_sum3A_158 = vector.extract %reduce_sum3A_157[0, 0, 0] : f32 from vector<1x1x1xf32>
    %add3A_159 = arith.addf %add3A_86, %reduce_sum3A_158 : f32
    %eq3A_160 = vector.broadcast %broadcast_in_dim3A_152 : vector<1024x1xf32> to vector<1024x1024xf32>
    %eq3A_161 = arith.cmpf oeq, %convert_element_type3A, %eq3A_160 : vector<1024x1024xf32>
    %jit3A_162 = arith.constant 1.000000e+30 : f32
    %broadcast_in_dim3A_163 = vector.broadcast %jit3A_162 : f32 to vector<1024x1024xf32>
    %select_n3A_164 = arith.select %eq3A_161, %broadcast_in_dim3A_163, %select_n3A_91 : vector<1024x1024xi1>, vector<1024x1024xf32>
    %slice3A_165 = vector.extract_strided_slice %select_n3A_164 {offsets = [0, 0], sizes = [1024, 128], strides = [1, 1]} : vector<1024x1024xf32> to vector<1024x128xf32>
    %slice3A_166 = vector.extract_strided_slice %select_n3A_164 {offsets = [0, 128], sizes = [1024, 128], strides = [1, 1]} : vector<1024x1024xf32> to vector<1024x128xf32>
    %lt3A_167 = arith.cmpf olt, %slice3A_166, %slice3A_165 : vector<1024x128xf32>
    %select_n3A_168 = arith.select %lt3A_167, %slice3A_166, %slice3A_165 : vector<1024x128xi1>, vector<1024x128xf32>
    %add3A_169 = arith.constant 1.280000e+02 : f32
    %add3A_170 = vector.broadcast %add3A_169 : f32 to vector<1024x128xf32>
    %add3A_171 = arith.addf %convert_element_type3A_24, %add3A_170 : vector<1024x128xf32>
    %select_n3A_172 = arith.select %lt3A_167, %add3A_171, %convert_element_type3A_24 : vector<1024x128xi1>, vector<1024x128xf32>
    %slice3A_173 = vector.extract_strided_slice %select_n3A_164 {offsets = [0, 256], sizes = [1024, 128], strides = [1, 1]} : vector<1024x1024xf32> to vector<1024x128xf32>
    %lt3A_174 = arith.cmpf olt, %slice3A_173, %select_n3A_168 : vector<1024x128xf32>
    %select_n3A_175 = arith.select %lt3A_174, %slice3A_173, %select_n3A_168 : vector<1024x128xi1>, vector<1024x128xf32>
    %add3A_176 = arith.constant 2.560000e+02 : f32
    %add3A_177 = vector.broadcast %add3A_176 : f32 to vector<1024x128xf32>
    %add3A_178 = arith.addf %convert_element_type3A_24, %add3A_177 : vector<1024x128xf32>
    %select_n3A_179 = arith.select %lt3A_174, %add3A_178, %select_n3A_172 : vector<1024x128xi1>, vector<1024x128xf32>
    %slice3A_180 = vector.extract_strided_slice %select_n3A_164 {offsets = [0, 384], sizes = [1024, 128], strides = [1, 1]} : vector<1024x1024xf32> to vector<1024x128xf32>
    %lt3A_181 = arith.cmpf olt, %slice3A_180, %select_n3A_175 : vector<1024x128xf32>
    %select_n3A_182 = arith.select %lt3A_181, %slice3A_180, %select_n3A_175 : vector<1024x128xi1>, vector<1024x128xf32>
    %add3A_183 = arith.constant 3.840000e+02 : f32
    %add3A_184 = vector.broadcast %add3A_183 : f32 to vector<1024x128xf32>
    %add3A_185 = arith.addf %convert_element_type3A_24, %add3A_184 : vector<1024x128xf32>
    %select_n3A_186 = arith.select %lt3A_181, %add3A_185, %select_n3A_179 : vector<1024x128xi1>, vector<1024x128xf32>
    %slice3A_187 = vector.extract_strided_slice %select_n3A_164 {offsets = [0, 512], sizes = [1024, 128], strides = [1, 1]} : vector<1024x1024xf32> to vector<1024x128xf32>
    %lt3A_188 = arith.cmpf olt, %slice3A_187, %select_n3A_182 : vector<1024x128xf32>
    %select_n3A_189 = arith.select %lt3A_188, %slice3A_187, %select_n3A_182 : vector<1024x128xi1>, vector<1024x128xf32>
    %add3A_190 = arith.constant 5.120000e+02 : f32
    %add3A_191 = vector.broadcast %add3A_190 : f32 to vector<1024x128xf32>
    %add3A_192 = arith.addf %convert_element_type3A_24, %add3A_191 : vector<1024x128xf32>
    %select_n3A_193 = arith.select %lt3A_188, %add3A_192, %select_n3A_186 : vector<1024x128xi1>, vector<1024x128xf32>
    %slice3A_194 = vector.extract_strided_slice %select_n3A_164 {offsets = [0, 640], sizes = [1024, 128], strides = [1, 1]} : vector<1024x1024xf32> to vector<1024x128xf32>
    %lt3A_195 = arith.cmpf olt, %slice3A_194, %select_n3A_189 : vector<1024x128xf32>
    %select_n3A_196 = arith.select %lt3A_195, %slice3A_194, %select_n3A_189 : vector<1024x128xi1>, vector<1024x128xf32>
    %add3A_197 = arith.constant 6.400000e+02 : f32
    %add3A_198 = vector.broadcast %add3A_197 : f32 to vector<1024x128xf32>
    %add3A_199 = arith.addf %convert_element_type3A_24, %add3A_198 : vector<1024x128xf32>
    %select_n3A_200 = arith.select %lt3A_195, %add3A_199, %select_n3A_193 : vector<1024x128xi1>, vector<1024x128xf32>
    %slice3A_201 = vector.extract_strided_slice %select_n3A_164 {offsets = [0, 768], sizes = [1024, 128], strides = [1, 1]} : vector<1024x1024xf32> to vector<1024x128xf32>
    %lt3A_202 = arith.cmpf olt, %slice3A_201, %select_n3A_196 : vector<1024x128xf32>
    %select_n3A_203 = arith.select %lt3A_202, %slice3A_201, %select_n3A_196 : vector<1024x128xi1>, vector<1024x128xf32>
    %add3A_204 = arith.constant 7.680000e+02 : f32
    %add3A_205 = vector.broadcast %add3A_204 : f32 to vector<1024x128xf32>
    %add3A_206 = arith.addf %convert_element_type3A_24, %add3A_205 : vector<1024x128xf32>
    %select_n3A_207 = arith.select %lt3A_202, %add3A_206, %select_n3A_200 : vector<1024x128xi1>, vector<1024x128xf32>
    %slice3A_208 = vector.extract_strided_slice %select_n3A_164 {offsets = [0, 896], sizes = [1024, 128], strides = [1, 1]} : vector<1024x1024xf32> to vector<1024x128xf32>
    %lt3A_209 = arith.cmpf olt, %slice3A_208, %select_n3A_203 : vector<1024x128xf32>
    %select_n3A_210 = arith.select %lt3A_209, %slice3A_208, %select_n3A_203 : vector<1024x128xi1>, vector<1024x128xf32>
    %add3A_211 = arith.constant 8.960000e+02 : f32
    %add3A_212 = vector.broadcast %add3A_211 : f32 to vector<1024x128xf32>
    %add3A_213 = arith.addf %convert_element_type3A_24, %add3A_212 : vector<1024x128xf32>
    %select_n3A_214 = arith.select %lt3A_209, %add3A_213, %select_n3A_207 : vector<1024x128xi1>, vector<1024x128xf32>
    %reduce_min3A_215 = arith.constant dense<0x7F800000> : vector<1024xf32>
    %reduce_min3A_216 = vector.multi_reduction <minimumf>, %select_n3A_210, %reduce_min3A_215 [1] : vector<1024x128xf32> to vector<1024xf32>
    %broadcast_in_dim3A_217 = vector.shape_cast %reduce_min3A_216 : vector<1024xf32> to vector<1024x1xf32>
    %eq3A_218 = vector.broadcast %broadcast_in_dim3A_217 : vector<1024x1xf32> to vector<1024x128xf32>
    %eq3A_219 = arith.cmpf oeq, %select_n3A_210, %eq3A_218 : vector<1024x128xf32>
    %jit3A_220 = arith.constant 1.000000e+30 : f32
    %broadcast_in_dim3A_221 = vector.broadcast %jit3A_220 : f32 to vector<1024x128xf32>
    %select_n3A_222 = arith.select %eq3A_219, %select_n3A_214, %broadcast_in_dim3A_221 : vector<1024x128xi1>, vector<1024x128xf32>
    %reduce_min3A_223 = arith.constant dense<0x7F800000> : vector<1024xf32>
    %reduce_min3A_224 = vector.multi_reduction <minimumf>, %select_n3A_222, %reduce_min3A_223 [1] : vector<1024x128xf32> to vector<1024xf32>
    %broadcast_in_dim3A_225 = vector.shape_cast %reduce_min3A_224 : vector<1024xf32> to vector<1024x1xf32>
    %sqrt3A_226 = math.sqrt %broadcast_in_dim3A_217 : vector<1024x1xf32>
    %reduce_sum3A_227 = vector.shape_cast %sqrt3A_226 : vector<1024x1xf32> to vector<1x1024x1xf32>
    %reduce_sum3A_228 = arith.constant dense<0.000000e+00> : vector<1xf32>
    %reduce_sum3A_229 = vector.multi_reduction <add>, %reduce_sum3A_227, %reduce_sum3A_228 [1, 2] : vector<1x1024x1xf32> to vector<1xf32>
    %reduce_sum3A_230 = vector.shape_cast %reduce_sum3A_229 : vector<1xf32> to vector<1x1x1xf32>
    %reduce_sum3A_231 = vector.extract %reduce_sum3A_230[0, 0, 0] : f32 from vector<1x1x1xf32>
    %add3A_232 = arith.addf %add3A_159, %reduce_sum3A_231 : f32
    %eq3A_233 = vector.broadcast %broadcast_in_dim3A_225 : vector<1024x1xf32> to vector<1024x1024xf32>
    %eq3A_234 = arith.cmpf oeq, %convert_element_type3A, %eq3A_233 : vector<1024x1024xf32>
    %jit3A_235 = arith.constant 1.000000e+30 : f32
    %broadcast_in_dim3A_236 = vector.broadcast %jit3A_235 : f32 to vector<1024x1024xf32>
    %select_n3A_237 = arith.select %eq3A_234, %broadcast_in_dim3A_236, %select_n3A_164 : vector<1024x1024xi1>, vector<1024x1024xf32>
    %slice3A_238 = vector.extract_strided_slice %select_n3A_237 {offsets = [0, 0], sizes = [1024, 128], strides = [1, 1]} : vector<1024x1024xf32> to vector<1024x128xf32>
    %slice3A_239 = vector.extract_strided_slice %select_n3A_237 {offsets = [0, 128], sizes = [1024, 128], strides = [1, 1]} : vector<1024x1024xf32> to vector<1024x128xf32>
    %lt3A_240 = arith.cmpf olt, %slice3A_239, %slice3A_238 : vector<1024x128xf32>
    %select_n3A_241 = arith.select %lt3A_240, %slice3A_239, %slice3A_238 : vector<1024x128xi1>, vector<1024x128xf32>
    %add3A_242 = arith.constant 1.280000e+02 : f32
    %add3A_243 = vector.broadcast %add3A_242 : f32 to vector<1024x128xf32>
    %add3A_244 = arith.addf %convert_element_type3A_24, %add3A_243 : vector<1024x128xf32>
    %select_n3A_245 = arith.select %lt3A_240, %add3A_244, %convert_element_type3A_24 : vector<1024x128xi1>, vector<1024x128xf32>
    %slice3A_246 = vector.extract_strided_slice %select_n3A_237 {offsets = [0, 256], sizes = [1024, 128], strides = [1, 1]} : vector<1024x1024xf32> to vector<1024x128xf32>
    %lt3A_247 = arith.cmpf olt, %slice3A_246, %select_n3A_241 : vector<1024x128xf32>
    %select_n3A_248 = arith.select %lt3A_247, %slice3A_246, %select_n3A_241 : vector<1024x128xi1>, vector<1024x128xf32>
    %add3A_249 = arith.constant 2.560000e+02 : f32
    %add3A_250 = vector.broadcast %add3A_249 : f32 to vector<1024x128xf32>
    %add3A_251 = arith.addf %convert_element_type3A_24, %add3A_250 : vector<1024x128xf32>
    %select_n3A_252 = arith.select %lt3A_247, %add3A_251, %select_n3A_245 : vector<1024x128xi1>, vector<1024x128xf32>
    %slice3A_253 = vector.extract_strided_slice %select_n3A_237 {offsets = [0, 384], sizes = [1024, 128], strides = [1, 1]} : vector<1024x1024xf32> to vector<1024x128xf32>
    %lt3A_254 = arith.cmpf olt, %slice3A_253, %select_n3A_248 : vector<1024x128xf32>
    %select_n3A_255 = arith.select %lt3A_254, %slice3A_253, %select_n3A_248 : vector<1024x128xi1>, vector<1024x128xf32>
    %add3A_256 = arith.constant 3.840000e+02 : f32
    %add3A_257 = vector.broadcast %add3A_256 : f32 to vector<1024x128xf32>
    %add3A_258 = arith.addf %convert_element_type3A_24, %add3A_257 : vector<1024x128xf32>
    %select_n3A_259 = arith.select %lt3A_254, %add3A_258, %select_n3A_252 : vector<1024x128xi1>, vector<1024x128xf32>
    %slice3A_260 = vector.extract_strided_slice %select_n3A_237 {offsets = [0, 512], sizes = [1024, 128], strides = [1, 1]} : vector<1024x1024xf32> to vector<1024x128xf32>
    %lt3A_261 = arith.cmpf olt, %slice3A_260, %select_n3A_255 : vector<1024x128xf32>
    %select_n3A_262 = arith.select %lt3A_261, %slice3A_260, %select_n3A_255 : vector<1024x128xi1>, vector<1024x128xf32>
    %add3A_263 = arith.constant 5.120000e+02 : f32
    %add3A_264 = vector.broadcast %add3A_263 : f32 to vector<1024x128xf32>
    %add3A_265 = arith.addf %convert_element_type3A_24, %add3A_264 : vector<1024x128xf32>
    %select_n3A_266 = arith.select %lt3A_261, %add3A_265, %select_n3A_259 : vector<1024x128xi1>, vector<1024x128xf32>
    %slice3A_267 = vector.extract_strided_slice %select_n3A_237 {offsets = [0, 640], sizes = [1024, 128], strides = [1, 1]} : vector<1024x1024xf32> to vector<1024x128xf32>
    %lt3A_268 = arith.cmpf olt, %slice3A_267, %select_n3A_262 : vector<1024x128xf32>
    %select_n3A_269 = arith.select %lt3A_268, %slice3A_267, %select_n3A_262 : vector<1024x128xi1>, vector<1024x128xf32>
    %add3A_270 = arith.constant 6.400000e+02 : f32
    %add3A_271 = vector.broadcast %add3A_270 : f32 to vector<1024x128xf32>
    %add3A_272 = arith.addf %convert_element_type3A_24, %add3A_271 : vector<1024x128xf32>
    %select_n3A_273 = arith.select %lt3A_268, %add3A_272, %select_n3A_266 : vector<1024x128xi1>, vector<1024x128xf32>
    %slice3A_274 = vector.extract_strided_slice %select_n3A_237 {offsets = [0, 768], sizes = [1024, 128], strides = [1, 1]} : vector<1024x1024xf32> to vector<1024x128xf32>
    %lt3A_275 = arith.cmpf olt, %slice3A_274, %select_n3A_269 : vector<1024x128xf32>
    %select_n3A_276 = arith.select %lt3A_275, %slice3A_274, %select_n3A_269 : vector<1024x128xi1>, vector<1024x128xf32>
    %add3A_277 = arith.constant 7.680000e+02 : f32
    %add3A_278 = vector.broadcast %add3A_277 : f32 to vector<1024x128xf32>
    %add3A_279 = arith.addf %convert_element_type3A_24, %add3A_278 : vector<1024x128xf32>
    %select_n3A_280 = arith.select %lt3A_275, %add3A_279, %select_n3A_273 : vector<1024x128xi1>, vector<1024x128xf32>
    %slice3A_281 = vector.extract_strided_slice %select_n3A_237 {offsets = [0, 896], sizes = [1024, 128], strides = [1, 1]} : vector<1024x1024xf32> to vector<1024x128xf32>
    %lt3A_282 = arith.cmpf olt, %slice3A_281, %select_n3A_276 : vector<1024x128xf32>
    %select_n3A_283 = arith.select %lt3A_282, %slice3A_281, %select_n3A_276 : vector<1024x128xi1>, vector<1024x128xf32>
    %add3A_284 = arith.constant 8.960000e+02 : f32
    %add3A_285 = vector.broadcast %add3A_284 : f32 to vector<1024x128xf32>
    %add3A_286 = arith.addf %convert_element_type3A_24, %add3A_285 : vector<1024x128xf32>
    %select_n3A_287 = arith.select %lt3A_282, %add3A_286, %select_n3A_280 : vector<1024x128xi1>, vector<1024x128xf32>
    %reduce_min3A_288 = arith.constant dense<0x7F800000> : vector<1024xf32>
    %reduce_min3A_289 = vector.multi_reduction <minimumf>, %select_n3A_283, %reduce_min3A_288 [1] : vector<1024x128xf32> to vector<1024xf32>
    %broadcast_in_dim3A_290 = vector.shape_cast %reduce_min3A_289 : vector<1024xf32> to vector<1024x1xf32>
    %eq3A_291 = vector.broadcast %broadcast_in_dim3A_290 : vector<1024x1xf32> to vector<1024x128xf32>
    %eq3A_292 = arith.cmpf oeq, %select_n3A_283, %eq3A_291 : vector<1024x128xf32>
    %jit3A_293 = arith.constant 1.000000e+30 : f32
    %broadcast_in_dim3A_294 = vector.broadcast %jit3A_293 : f32 to vector<1024x128xf32>
    %select_n3A_295 = arith.select %eq3A_292, %select_n3A_287, %broadcast_in_dim3A_294 : vector<1024x128xi1>, vector<1024x128xf32>
    %reduce_min3A_296 = arith.constant dense<0x7F800000> : vector<1024xf32>
    %reduce_min3A_297 = vector.multi_reduction <minimumf>, %select_n3A_295, %reduce_min3A_296 [1] : vector<1024x128xf32> to vector<1024xf32>
    %broadcast_in_dim3A_298 = vector.shape_cast %reduce_min3A_297 : vector<1024xf32> to vector<1024x1xf32>
    %sqrt3A_299 = math.sqrt %broadcast_in_dim3A_290 : vector<1024x1xf32>
    %reduce_sum3A_300 = vector.shape_cast %sqrt3A_299 : vector<1024x1xf32> to vector<1x1024x1xf32>
    %reduce_sum3A_301 = arith.constant dense<0.000000e+00> : vector<1xf32>
    %reduce_sum3A_302 = vector.multi_reduction <add>, %reduce_sum3A_300, %reduce_sum3A_301 [1, 2] : vector<1x1024x1xf32> to vector<1xf32>
    %reduce_sum3A_303 = vector.shape_cast %reduce_sum3A_302 : vector<1xf32> to vector<1x1x1xf32>
    %reduce_sum3A_304 = vector.extract %reduce_sum3A_303[0, 0, 0] : f32 from vector<1x1x1xf32>
    %add3A_305 = arith.addf %add3A_232, %reduce_sum3A_304 : f32
    %concatenate3A_306 = tpu.concatenate %broadcast_in_dim3A_79, %broadcast_in_dim3A_152, %broadcast_in_dim3A_225, %broadcast_in_dim3A_298 in 1 : vector<1024x1xf32>, vector<1024x1xf32>, vector<1024x1xf32>, vector<1024x1xf32> -> vector<1024x4xf32>
    %iota3A_307 = tpu.iota {dimensions = array<i32: 1>} : vector<4x128xi32>
    %iota3A_308 = tpu.iota {dimensions = array<i32: 0>} : vector<4x128xi32>
    %and3A = arith.constant 3 : i32
    %and3A_309 = vector.broadcast %and3A : i32 to vector<4x128xi32>
    %and3A_310 = arith.andi %iota3A_307, %and3A_309 : vector<4x128xi32>
    %eq3A_311 = arith.cmpi eq, %and3A_310, %iota3A_308 : vector<4x128xi32>
    %convert_element_type3A_312 = arith.extui %eq3A_311 : vector<4x128xi1> to vector<4x128xi32>
    %convert_element_type3A_313 = arith.sitofp %convert_element_type3A_312 : vector<4x128xi32> to vector<4x128xf32>
    %dot_general3A_314 = arith.constant dense<0.000000e+00> : vector<1024x128xf32>
    %dot_general3A_315 = tpu.matmul %concatenate3A_306, %convert_element_type3A_313, %dot_general3A_314 {dimension_numbers = #tpu.dot_dimension_numbers<[1], [0], [0], [1], [0, 0, 1, 1], [], []>, transpose_lhs_hint = false} : vector<1024x4xf32>, vector<4x128xf32>, vector<1024x128xf32> -> vector<1024x128xf32>
    %iota3A_316 = tpu.iota {dimensions = array<i32: 1>} : vector<1024x128xi32>
    %iota3A_317 = tpu.iota {dimensions = array<i32: 0>} : vector<1024x128xi32>
    %shift_right_arithmetic3A = arith.constant 2 : i32
    %shift_right_arithmetic3A_318 = vector.broadcast %shift_right_arithmetic3A : i32 to vector<1024x128xi32>
    %shift_right_arithmetic3A_319 = arith.shrsi %iota3A_316, %shift_right_arithmetic3A_318 : vector<1024x128xi32>
    %and3A_320 = arith.constant 31 : i32
    %and3A_321 = vector.broadcast %and3A_320 : i32 to vector<1024x128xi32>
    %and3A_322 = arith.andi %iota3A_317, %and3A_321 : vector<1024x128xi32>
    %eq3A_323 = arith.cmpi eq, %shift_right_arithmetic3A_319, %and3A_322 : vector<1024x128xi32>
    %jit3A_324 = arith.constant 0.000000e+00 : f32
    %broadcast_in_dim3A_325 = vector.broadcast %jit3A_324 : f32 to vector<1024x128xf32>
    %select_n3A_326 = arith.select %eq3A_323, %dot_general3A_315, %broadcast_in_dim3A_325 : vector<1024x128xi1>, vector<1024x128xf32>
    %iota3A_327 = tpu.iota {dimensions = array<i32: 1>} : vector<32x1024xi32>
    %iota3A_328 = tpu.iota {dimensions = array<i32: 0>} : vector<32x1024xi32>
    %shift_right_arithmetic3A_329 = arith.constant 5 : i32
    %shift_right_arithmetic3A_330 = vector.broadcast %shift_right_arithmetic3A_329 : i32 to vector<32x1024xi32>
    %shift_right_arithmetic3A_331 = arith.shrsi %iota3A_327, %shift_right_arithmetic3A_330 : vector<32x1024xi32>
    %eq3A_332 = arith.cmpi eq, %shift_right_arithmetic3A_331, %iota3A_328 : vector<32x1024xi32>
    %convert_element_type3A_333 = arith.extui %eq3A_332 : vector<32x1024xi1> to vector<32x1024xi32>
    %convert_element_type3A_334 = arith.sitofp %convert_element_type3A_333 : vector<32x1024xi32> to vector<32x1024xf32>
    %dot_general3A_335 = arith.constant dense<0.000000e+00> : vector<32x128xf32>
    %dot_general3A_336 = tpu.matmul %convert_element_type3A_334, %select_n3A_326, %dot_general3A_335 {dimension_numbers = #tpu.dot_dimension_numbers<[1], [0], [0], [1], [0, 0, 1, 1], [], []>, transpose_lhs_hint = false} : vector<32x1024xf32>, vector<1024x128xf32>, vector<32x128xf32> -> vector<32x128xf32>
    %convert_element_type3A_337 = arith.fptosi %dot_general3A_336 : vector<32x128xf32> to vector<32x128xi32>
    %swap3A = arith.constant 0 : index
    %swap3A_338 = arith.constant 0 : index
    %swap3A_339 = vector.load %arg3[%swap3A, %swap3A_338] : memref<32x128xi32, #tpu.memory_space<vmem>>, vector<32x128xi32>
    tpu.vector_store %arg3[%swap3A, %swap3A_338], %convert_element_type3A_337 {strides = array<i32>} : memref<32x128xi32, #tpu.memory_space<vmem>>, vector<32x128xi32>,
    %broadcast_in_dim3A_340 = vector.broadcast %add3A_305 : f32 to vector<1x1x128xf32>
    %swap3A_341 = arith.constant 0 : index
    %swap3A_342 = arith.constant 0 : index
    %swap3A_343 = arith.constant 0 : index
    %swap3A_344 = vector.load %arg4[%swap3A_341, %swap3A_342, %swap3A_343] : memref<1x1x128xf32, #tpu.memory_space<vmem>>, vector<1x1x128xf32>
    tpu.vector_store %arg4[%swap3A_341, %swap3A_342, %swap3A_343], %broadcast_in_dim3A_340 {strides = array<i32>} : memref<1x1x128xf32, #tpu.memory_space<vmem>>, vector<1x1x128xf32>,
    return
  }
  func.func @transform_0(%arg0: i32) -> (i32, i32) {
    %c0_i32 = arith.constant 0 : i32
    %c0_i32_0 = arith.constant 0 : i32
    return %arg0, %c0_i32 : i32, i32
  }
  func.func @transform_1(%arg0: i32) -> (i32, i32) {
    %c0_i32 = arith.constant 0 : i32
    %c0_i32_0 = arith.constant 0 : i32
    %c0_i32_1 = arith.constant 0 : i32
    return %c0_i32, %c0_i32_0 : i32, i32
  }
  func.func @transform_2(%arg0: i32) -> (i32, i32) {
    %c0_i32 = arith.constant 0 : i32
    %c0_i32_0 = arith.constant 0 : i32
    return %arg0, %c0_i32 : i32, i32
  }
  func.func @transform_3(%arg0: i32) -> (i32, i32, i32) {
    %c0_i32 = arith.constant 0 : i32
    %c0_i32_0 = arith.constant 0 : i32
    %c0_i32_1 = arith.constant 0 : i32
    return %arg0, %c0_i32, %c0_i32_0 : i32, i32, i32
  }
}

</mosaic_0001>

<sc_bundles>
// kernel: kernel.4.cloned.1.call-start
scs
__scs_entry_jumppad:
0x0: {  	(pc) =	sbr.rel $0x88, $3  }
0x1: {  	(tag) =	ssettag $0x0;
	lr =	simm.s32 $0x1  }
0x2: {  	[smem:$0x3F9E] =	sst lr;
	_ =	strace $0xD0000000  }
0x3: {  	_ = 	snop  }
0x4: {  	_ = 	snop  }
0x5: {  	_ = 	snop  }
0x6: {  	_ = 	snop  }
0x7: {  	_ = 	snop  }
__scs_overlays_trampoline_lowered:
0x8: {  	[smem:$0x3FAD] =	sst s0  }
0x9: {  	[smem:$0x3FAE] =	sst s1  }
0xa: {  	[smem:$0x3FAF] =	sst s2  }
0xb: {  	[smem:$0x3FB0] =	sst s3  }
0xc: {  	[smem:$0x3FB1] =	sst s4  }
0xd: {  	[smem:$0x3FB2] =	sst s5  }
0xe: {  	[smem:$0x3FB3] =	sst s6  }
0xf: {  	[smem:$0x3FB4] =	sst s7  }
0x10: {  	[smem:$0x3FB5] =	sst s8  }
0x11: {  	[smem:$0x3FB6] =	sst s9;
	s0 =	simm.s32 @!p0 $0x0  }
0x12: {  	s1 =	sld [smem:$0x3F9C];
	s0 =	simm.s32 @p0 $0x1  }
0x13: {  	[smem:$0x3FB7] =	sst s0;
	s0 =	simm.s32 @!p1 $0x0  }
0x14: {  	s2 =	sld [smem:$0x3F9B];
	s0 =	simm.s32 @p1 $0x1  }
0x15: {  	[smem:$0x3FB8] =	sst s0;
	s0 =	simm.s32 @!p2 $0x0  }
0x16: {  	s3 =	sld [smem:$0x3FDB];
	s0 =	simm.s32 @p2 $0x1  }
0x17: {  	s4 =	simm.s32 $0x1BF5;
	[smem:$0x3FBA] =	sst s0  }
0x18: {  	s0 =	sld [smem:$0x3F9D];
	_ =	swait.ge [sflag:s4], $0x0  }
0x19: {  	s7 =	sld [smem:$0x3F9E]  }
0x1a: {  	s8 =	sadd.s32 $0xFFFFE003, lr  }
0x1b: {  	s9 =	sadd.s32 $0xFFFFFEF7, lr;
	s5 =	simm.s32 $0xFFFFFFFF;
	p2 =	slt.u32 s8, $0xFFFFF086  }
0x1c: {  	p1 =	slt.u32 s9, $0xF7A;
	s5 =	simm.s32 @!p2 $0x0  }
0x1d: {  	s5 =	simm.s32 @p1 $0x1;
	p0 =	seq.s32 s7, s2  }
0x1e: {  	s7 =	smul.u32 @!p0 $0xF7A, s2;
	p2 =	seq.s32 @!p0 s5, $0x0  }
0x1f: {  	s9 =	smul.u32 $0xF7A, s1;
	s8 =	simm.s32 @!p0 $0x1BF5;
	p2 =	por !p2, p0  }
0x20: {  	[sflag:s8] =	ssyncset.s32 @!p0 $0xFFFFF086;
	s6 =	sadd.s32 @!p0 s3, s7;
	s7 =	simm.s32 @!p0 $0x108  }
0x21: {  	s3 =	sadd.s32 s3, s9;
	s6 =	sadd.s32 @!p0 $0x88, s6;
	s7 =	simm.s32 @p2 $0x1082  }
0x22: {  	[simem:s7], [sflag:s8] =	dma.local @!p0 [hbm:s6], $0xF7A  }
0x23: {  	s9 =	sor.u32 $0xD0000000, s2;
	s6 =	simm.s32 $0x108;
	_ =	swait.ge @!p0 [sflag:s8], $0x0  }
0x24: {  	s3 =	sadd.s32 $0x88, s3;
	s6 =	simm.s32 @!p1 $0x1082;
	[sflag:s4] =	ssyncset.s32 $0xFFFFF086  }
0x25: {  	[simem:s6], [sflag:s4] =	dma.local [hbm:s3], $0xF7A  }
0x26: {  	[smem:$0x3F9E] =	sst s1;
	(tag) =	ssettag s2;
	_ =	strace s9  }
0x27: {  	s1 =	sld [smem:$0x3FAE]  }
0x28: {  	s2 =	sld [smem:$0x3FAF]  }
0x29: {  	s4 =	sld [smem:$0x3FB1]  }
0x2a: {  	p0 =	seq.s32 s5, $0x0;
	s5 =	sld [smem:$0x3FB2]  }
0x2b: {  	s6 =	sld [smem:$0x3FB3]  }
0x2c: {  	s7 =	sld [smem:$0x3FB4]  }
0x2d: {  	s3 =	simm.s32 $0x108;
	s8 =	sld [smem:$0x3FB5]  }
0x2e: {  	s3 =	simm.s32 @!p0 $0x1082;
	s9 =	sld [smem:$0x3FB6]  }
0x2f: {  	lr =	sadd.s32 s0, s3;
	s0 =	sld [smem:$0x3FAD]  }
0x30: {  	s3 =	sld [smem:$0x3FB0]  }
0x31: {  	[smem:$0x3FB9] =	sst s10  }
0x32: {  	s10 =	sld [smem:$0x3FB7];
	_ =	sdelay $0x3  }
0x33: {  	p0 =	seq.s32 s10, $0x1;
	s10 =	sld [smem:$0x3FB9];
	_ =	sdelay $0x3  }
0x34: {  	[smem:$0x3FB9] =	sst s10  }
0x35: {  	s10 =	sld [smem:$0x3FB8];
	_ =	sdelay $0x3  }
0x36: {  	p1 =	seq.s32 s10, $0x1;
	s10 =	sld [smem:$0x3FB9];
	_ =	sdelay $0x3  }
0x37: {  	[smem:$0x3FB9] =	sst s10  }
0x38: {  	s10 =	sld [smem:$0x3FBA]  }
0x39: {  	_ = 	snop;
	(pc) =	sbr.ind lr, $3  }
0x3a: {  	_ = 	snop  }
0x3b: {  	_ = 	snop  }
0x3c: {  	p2 =	seq.s32 s10, $0x1;
	s10 =	sld [smem:$0x3FB9]  }
0x3d: {  	_ =	shalt  }
0x3e: {  	_ =	shalt  }
0x3f: {  	_ =	shalt  }
0x40: {  	_ =	shalt  }
0x41: {  	_ =	shalt  }
0x42: {  	_ =	shalt  }
0x43: {  	_ =	shalt  }
0x44: {  	_ =	shalt  }
0x45: {  	_ =	shalt  }
0x46: {  	_ =	shalt  }
0x47: {  	_ =	shalt  }
0x48: {  	_ =	shalt  }
0x49: {  	_ =	shalt  }
0x4a: {  	_ =	shalt  }
0x4b: {  	_ =	shalt  }
0x4c: {  	_ =	shalt  }
0x4d: {  	_ =	shalt  }
0x4e: {  	_ =	shalt  }
0x4f: {  	_ =	shalt  }
0x50: {  	_ =	shalt  }
0x51: {  	_ =	shalt  }
0x52: {  	_ =	shalt  }
0x53: {  	_ =	shalt  }
0x54: {  	_ =	shalt  }
0x55: {  	_ =	shalt  }
0x56: {  	_ =	shalt  }
0x57: {  	_ =	shalt  }
0x58: {  	_ =	shalt  }
0x59: {  	_ =	shalt  }
0x5a: {  	_ =	shalt  }
0x5b: {  	_ =	shalt  }
0x5c: {  	_ =	shalt  }
0x5d: {  	_ =	shalt  }
0x5e: {  	_ =	shalt  }
0x5f: {  	_ =	shalt  }
0x60: {  	_ =	shalt  }
0x61: {  	_ =	shalt  }
0x62: {  	_ =	shalt  }
0x63: {  	_ =	shalt  }
0x64: {  	_ =	shalt  }
0x65: {  	_ =	shalt  }
0x66: {  	_ =	shalt  }
0x67: {  	_ =	shalt  }
0x68: {  	_ =	shalt  }
0x69: {  	_ =	shalt  }
0x6a: {  	_ =	shalt  }
0x6b: {  	_ =	shalt  }
0x6c: {  	_ =	shalt  }
0x6d: {  	_ =	shalt  }
0x6e: {  	_ =	shalt  }
0x6f: {  	_ =	shalt  }
0x70: {  	_ =	shalt  }
0x71: {  	_ =	shalt  }
0x72: {  	_ =	shalt  }
0x73: {  	_ =	shalt  }
0x74: {  	_ =	shalt  }
0x75: {  	_ =	shalt  }
0x76: {  	_ =	shalt  }
0x77: {  	_ =	shalt  }
0x78: {  	_ =	shalt  }
0x79: {  	_ =	shalt  }
0x7a: {  	_ =	shalt  }
0x7b: {  	_ =	shalt  }
0x7c: {  	_ =	shalt  }
0x7d: {  	_ =	shalt  }
0x7e: {  	_ =	shalt  }
0x7f: {  	_ =	shalt  }
0x80: {  	_ =	shalt  }
0x81: {  	_ =	shalt  }
0x82: {  	_ =	shalt  }
0x83: {  	_ =	shalt  }
0x84: {  	_ =	shalt  }
0x85: {  	_ =	shalt  }
0x86: {  	_ =	shalt  }
0x87: {  	_ =	shalt  }
.Lfunc_end0:
.L_simem_size_0:
called_computation_lowered:
.L_overlay_start_0:
0x88: {  	s2 =	sld [smem:$0x3FD9]  }
0x89: {  	s3 =	sld [smem:$0x3FFE];
	_ =	sdelay $0x1  }
0x8a: {  	s1 =	srdreg.scid  }
0x8b: {  	s0 =	sand.u32 $0x1, s1  }
0x8c: {  	s14 =	sshll.u32 s0, $0xA;
	s2 =	sadd.s32 s3, s2  }
0x8d: {  	s2 =	sadd.s32 s2, s14  }
0x8e: {  	[smem:$0x3FC5] =	sst s2  }
0x8f: {  	_ = 	snop  }
0x90: {  	s2 =	sld [smem:$0x3FD0];
	_ =	sdelay $0x2  }
0x91: {  	s4 =	simm.s32 $0xA;
	s5 =	simm.s32 $0x10;
	s15 =	sld [smem:$0x3FC7]  }
0x92: {  	[smem:s5], [sflag:s4] =	dma.local [hbm:s2], $0x1  }
0x93: {  	_ =	swait.eq [sflag:s4], $0x1  }
0x94: {  	[sflag:s4] =	ssyncset.done $0x0  }
0x95: {  	[sflag:s4] =	ssyncadd.s32 $0xFFFFFFFF  }
0x96: {  	s16 =	sld [smem:$0x10];
	(tm) =	ssettm $0x1  }
0x97: {  	s17 =	sld [smem:$0x3FFB];
	_ =	sdelay $0x3  }
0x98: {  	_ =	strace s17  }
0x99: {  	s4 =	sld [smem:$0x3FFC];
	_ =	sdelay $0x3  }
0x9a: {  	_ =	strace s4  }
0x9b: {  	s4 =	sld [smem:$0x3FFD];
	_ =	sdelay $0x3  }
0x9c: {  	_ =	strace s4  }
0x9d: {  	_ =	strace $0x8FFFFFFF  }
0x9e: {  	s18 =	sld [smem:$0x3FDB];
	_ =	sdelay $0x1  }
0x9f: {  	s19 =	simm.s32 $_scs_section_size  }
0xa0: {  	s6 =	simm.s32 $_size__tile_overlayer_lowered;
	s7 =	simm.s32 $_tile_overlayer_lowered  }
0xa1: {  	s22 =	simm.s32 $0x1BFF;
	s21 =	sshll.u32 s7, $0x1;
	s4 =	sadd.s32 s19, s18  }
0xa2: {  	s8 =	simm.s32 $0x0;
	s20 =	sshll.u32 s6, $0x1;
	s6 =	sadd.s32 s21, s4  }
0xa3: {  	[timem:s8], [sflag:s22] =	dma.local [hbm:s6], s20  }
0xa4: {  	_ =	swait.ge [sflag:s22], s20  }
0xa5: {  	s5 =	ssub.s32 $0x0, s20;
	[sflag:s22] =	ssyncset.done $0x0  }
0xa6: {  	[sflag:s22] =	ssyncadd.s32 s5;
	_ =	sdelay $0x1  }
0xa7: {  	s23 =	simm.s32 $0x1B8B  }
0xa8: {  	_ =	swait.ge [sflag:s23], $0x1  }
0xa9: {  	[sflag:s23] =	ssyncset.done $0x0  }
0xaa: {  	s25 =	simm.s32 $0x1B8E;
	s24 =	sld [smem:$0x3FFE];
	[sflag:s23] =	ssyncadd.s32 $0xFFFFFFFF  }
0xab: {  	s26 =	simm.s32 $execute0_lowered;
	[smem:$0x3FD2] =	sst s25  }
0xac: {  	s6 =	sshll.u32 s26, $0x1;
	_ =	strace $0x80000046;
	[dreg:$0x1] =	wrdreg $0xFFFFFFFF  }
0xad: {  	s28 =	simm.s32 $_size_execute0_lowered;
	s4 =	sadd.s32 s4, s6;
	[dreg:$0x0] =	wrdreg $0x0  }
0xae: {  	s6 =	sshll.u32 s28, $0x1;
	[dreg:$0x2] =	wrdreg s4  }
0xaf: {  	[dreg:$0x3] =	wrdreg s6  }
0xb0: {  	[dreg:$0x4] =	wrdreg $0xC0  }
0xb1: {  	_ =	task [dreg:s8], $0x5FFFF  }
0xb2: {  	[dreg:$0x1] =	wrdreg $0xFFFFFFFF  }
0xb3: {  	[dreg:$0x0] =	wrdreg $0x60  }
0xb4: {  	[dreg:$0x2] =	wrdreg s15  }
0xb5: {  	[dreg:$0x3] =	wrdreg s24  }
0xb6: {  	[dreg:$0x4] =	wrdreg s16  }
0xb7: {  	[dreg:$0x5] =	wrdreg $0x9  }
0xb8: {  	_ =	task.clear_ibuf [dreg:s8], $0x6FFFF;
	_ =	strace $0x90000046  }
0xb9: {  	s29 =	simm.s32 $0x9;
	_ =	strace $0x80000048  }
0xba: {  	_ =	swait.ge [sflag:s29], $0x1  }
0xbb: {  	[sflag:s29] =	ssyncadd.s32 $0xFFFFFFFF  }
0xbc: {  	_ =	strace $0x90000048  }
0xbd: {  	_ =	sfence  }
0xbe: {  	s30 =	sld [smem:$0x0];
	_ =	sdelay $0x2  }
0xbf: {  	s31 =	sshll.u32 s1, $0xD;
	s1 =	sshrl.u32 s1, $0x2  }
0xc0: {  	s3 =	sand.u32 $0x4000, s31;
	s1 =	sadd.s32 s1, s30  }
0xc1: {  	s0 =	sor.u32 s3, s0;
	s1 =	sshll.u32 s1, $0x11  }
0xc2: {  	s0 =	sor.u32 s1, s0  }
0xc3: {  	s0 =	sadd.s32 $0x8F2B, s0  }
0xc4: {  	[sflag:s0] =	ssyncadd.remote.s32 $0x1  }
0xc5: {  	_ =	sfence.sel $0xFFFF  }
0xc6: {  	[dreg:$0x0] =	wrdreg $0xFFFFFFFF;
	(pc) =	sbr.abs _section_cstart, $3  }
0xc7: {  	[dreg:$0x1] =	wrdreg $0xFFFFFFFF  }
0xc8: {  	_ =	task.clear_ibuf [dreg:s8], $0x2FFFF;
	_ =	strace $0x9FFFFFFF  }
0xc9: {  	(tm) =	ssettm $0x7FFFFFFF  }
tec
execute0_lowered:
.L_overlay_start_1:
0x0: {  	(tag) =	ssettag $0x1  }
0x1: {  	s1 =	rddreg [dreg:$0x0]  }
0x2: {  	s2 =	srdreg.scid;
	s0 =	stileid.u32  }
0x3: {  	s4 =	rddreg [dreg:$0x1];
	s16 =	sand.u32 $0x1, s2;
	s31 =	sshll.u32 s0, $0x1  }
0x4: {  	s10 =	rddreg [dreg:$0x2];
	s11 =	sor.u32 s16, s31  }
0x5: {  	s3 =	simm.s32 $0x0;
	s2 =	rddreg [dreg:$0x3];
	s5 =	sshll.u32 s11, $0x4  }
0x6: {  	[smem:$0x7FF] =	sst s3;
	s4 =	sadd.s32 s5, s4  }
0x7: {  	_ =	strace $0x80000047;
	s5 =	sadd.s32 $0xC00, s4;
	s4 =	simm.s32 $0x3  }
0x8: {  	[tilespmem:s3], [sflag:$0x3] =	stream.linear.gather [hbm4b:s5+s3], $0x80, $0x38;
	[tilespmem:$0x10080] =	vst v63  }
0x9: {  	_ =	swait.ge [sflag:s4], $0x80  }
0xa: {  	[sflag:s4] =	ssyncset.done $0x0  }
0xb: {  	s6 =	simm.s32 $0x20;
	s7 =	simm.s32 $0x80;
	[sflag:s4] =	ssyncadd.s32 $0xFFFFFF80  }
0xc: {  	[tilespmem:s7], [sflag:$0x1] =	stream.indirect.gather [hbm4b:s1+s6], $0x400, s3, s6, $0xb8;
	[tilespmem:$0x10080] =	vst v63  }
0xd: {  	s8 =	simm.s32 $0x8080;
	s9 =	simm.s32 $0x1  }
0xe: {  	[tilespmem:s8], [sflag:$0x2] =	stream.indirect.gather [hbm4b:s1+s6], $0x400, s6, s6, $0xb8;
	[tilespmem:$0x10080] =	vst v63  }
0xf: {  	_ =	swait.ge [sflag:s9], $0x8000  }
0x10: {  	s11 =	sshll.u32 s11, $0xE;
	[sflag:s9] =	ssyncset.done $0x0  }
0x11: {  	s10 =	sadd.s32 s10, s11;
	[sflag:s9] =	ssyncadd.s32 $0xFFFF8000  }
0x12: {  	[hbm4b:s10+s3] =	stream.linear.scatter [tilespmem:s7], [sflag:$0x3], $0x8000, $0x38;
	[tilespmem:$0x10080] =	vst v63  }
0x13: {  	_ =	swait.ge [sflag:s4], $0x8000  }
0x14: {  	[sflag:s4] =	ssyncset.done $0x0  }
0x15: {  	s12 =	simm.s32 $0x2;
	s11 =	simm.s32 $0x40;
	[sflag:s4] =	ssyncadd.s32 $0xFFFF8000  }
0x16: {  	[tilespmem:s7], [sflag:$0x1] =	stream.indirect.gather [hbm4b:s1+s6], $0x400, s11, s6, $0xb8;
	[tilespmem:$0x10080] =	vst v63  }
0x17: {  	_ =	swait.ge [sflag:s12], $0x8000  }
0x18: {  	[sflag:s12] =	ssyncset.done $0x0  }
0x19: {  	s13 =	sadd.s32 $0x1000, s10;
	[sflag:s12] =	ssyncadd.s32 $0xFFFF8000  }
0x1a: {  	[hbm4b:s13+s3] =	stream.linear.scatter [tilespmem:s8], [sflag:$0x3], $0x8000, $0x38;
	[tilespmem:$0x10080] =	vst v63  }
0x1b: {  	_ =	swait.ge [sflag:s4], $0x8000  }
0x1c: {  	[sflag:s4] =	ssyncset.done $0x0  }
0x1d: {  	s14 =	simm.s32 $0x60;
	[sflag:s4] =	ssyncadd.s32 $0xFFFF8000  }
0x1e: {  	[tilespmem:s8], [sflag:$0x2] =	stream.indirect.gather [hbm4b:s1+s6], $0x400, s14, s6, $0xb8;
	[tilespmem:$0x10080] =	vst v63  }
0x1f: {  	_ =	swait.ge [sflag:s9], $0x8000  }
0x20: {  	[sflag:s9] =	ssyncset.done $0x0  }
0x21: {  	s16 =	ssub.s32 $0x2, s16;
	s15 =	sadd.s32 $0x2000, s10;
	[sflag:s9] =	ssyncadd.s32 $0xFFFF8000  }
0x22: {  	[hbm4b:s15+s3] =	stream.linear.scatter [tilespmem:s7], [sflag:$0x3], $0x8000, $0x38;
	[tilespmem:$0x10080] =	vst v63  }
0x23: {  	s17 =	sshrl.u32 s16, $0x1;
	_ =	swait.ge [sflag:s4], $0x8000  }
0x24: {  	s17 =	ssub.s32 s16, s17;
	[sflag:s4] =	ssyncset.done $0x0  }
0x25: {  	s17 =	smax.u32 s17, $0x1;
	[sflag:s4] =	ssyncadd.s32 $0xFFFF8000  }
0x26: {  	p0 =	sne.s32 s17, $0x1;
	_ =	swait.ge [sflag:s12], $0x8000  }
.Ltmp0:
0x27: {  	[sflag:s12] =	ssyncset.done $0x0;
	(pc) =	sbr.rel @!p0 .LBB2_2-.Ltmp0, $4  }
0x28: {  	s16 =	sadd.s32 $0x3000, s10;
	[sflag:s12] =	ssyncadd.s32 $0xFFFF8000  }
0x29: {  	[hbm4b:s16+s3] =	stream.linear.scatter [tilespmem:s8], [sflag:$0x3], $0x8000, $0x38;
	[tilespmem:$0x10080] =	vst v63  }
0x2a: {  	_ =	swait.ge [sflag:s4], $0x8000  }
0x2b: {  	s17 =	sadd.s32 $0xFFFFFFFF, s17;
	[sflag:s4] =	ssyncset.done $0x0  }
.LBB2_1:
0x2c: {  	p0 =	sne.s32 s17, $0x1;
	s17 =	sadd.s32 $0xFFFFFFFF, s17;
	[sflag:s4] =	ssyncadd.s32 $0xFFFF8000  }
0x2d: {  	[tilespmem:s3], [sflag:$0x3] =	stream.linear.gather [hbm4b:s5+s3], $0x80, $0x38;
	[tilespmem:$0x10080] =	vst v63  }
0x2e: {  	_ =	swait.ge [sflag:s4], $0x80  }
0x2f: {  	[sflag:s4] =	ssyncset.done $0x0  }
0x30: {  	[sflag:s4] =	ssyncadd.s32 $0xFFFFFF80  }
0x31: {  	[tilespmem:s7], [sflag:$0x1] =	stream.indirect.gather [hbm4b:s1+s6], $0x400, s3, s6, $0xb8;
	[tilespmem:$0x10080] =	vst v63  }
0x32: {  	_ = 	snop  }
0x33: {  	[tilespmem:s8], [sflag:$0x2] =	stream.indirect.gather [hbm4b:s1+s6], $0x400, s6, s6, $0xb8;
	[tilespmem:$0x10080] =	vst v63  }
0x34: {  	_ =	swait.ge [sflag:s9], $0x8000  }
0x35: {  	[sflag:s9] =	ssyncset.done $0x0  }
0x36: {  	[sflag:s9] =	ssyncadd.s32 $0xFFFF8000  }
0x37: {  	[hbm4b:s10+s3] =	stream.linear.scatter [tilespmem:s7], [sflag:$0x3], $0x8000, $0x38;
	[tilespmem:$0x10080] =	vst v63  }
0x38: {  	_ =	swait.ge [sflag:s4], $0x8000  }
0x39: {  	[sflag:s4] =	ssyncset.done $0x0  }
0x3a: {  	[sflag:s4] =	ssyncadd.s32 $0xFFFF8000  }
0x3b: {  	[tilespmem:s7], [sflag:$0x1] =	stream.indirect.gather [hbm4b:s1+s6], $0x400, s11, s6, $0xb8;
	[tilespmem:$0x10080] =	vst v63  }
0x3c: {  	_ =	swait.ge [sflag:s12], $0x8000  }
0x3d: {  	[sflag:s12] =	ssyncset.done $0x0  }
0x3e: {  	[sflag:s12] =	ssyncadd.s32 $0xFFFF8000  }
0x3f: {  	[hbm4b:s13+s3] =	stream.linear.scatter [tilespmem:s8], [sflag:$0x3], $0x8000, $0x38;
	[tilespmem:$0x10080] =	vst v63  }
0x40: {  	_ =	swait.ge [sflag:s4], $0x8000  }
0x41: {  	[sflag:s4] =	ssyncset.done $0x0  }
0x42: {  	[sflag:s4] =	ssyncadd.s32 $0xFFFF8000  }
0x43: {  	[tilespmem:s8], [sflag:$0x2] =	stream.indirect.gather [hbm4b:s1+s6], $0x400, s14, s6, $0xb8;
	[tilespmem:$0x10080] =	vst v63  }
0x44: {  	_ =	swait.ge [sflag:s9], $0x8000  }
0x45: {  	[sflag:s9] =	ssyncset.done $0x0  }
0x46: {  	[sflag:s9] =	ssyncadd.s32 $0xFFFF8000  }
0x47: {  	[hbm4b:s15+s3] =	stream.linear.scatter [tilespmem:s7], [sflag:$0x3], $0x8000, $0x38;
	[tilespmem:$0x10080] =	vst v63  }
0x48: {  	_ =	swait.ge [sflag:s4], $0x8000  }
0x49: {  	[sflag:s4] =	ssyncset.done $0x0  }
0x4a: {  	[sflag:s4] =	ssyncadd.s32 $0xFFFF8000  }
0x4b: {  	_ =	swait.ge [sflag:s12], $0x8000  }
.Ltmp1:
0x4c: {  	[sflag:s12] =	ssyncset.done $0x0;
	(pc) =	sbr.rel @p0 .LBB2_1-.Ltmp1, $4  }
0x4d: {  	[sflag:s12] =	ssyncadd.s32 $0xFFFF8000  }
0x4e: {  	[hbm4b:s16+s3] =	stream.linear.scatter [tilespmem:s8], [sflag:$0x3], $0x8000, $0x38;
	[tilespmem:$0x10080] =	vst v63  }
0x4f: {  	_ =	swait.ge [sflag:s4], $0x8000  }
0x50: {  	[sflag:s4] =	ssyncset.done $0x0  }
.LBB2_2:
0x51: {  	[sflag:s4] =	ssyncadd.s32 $0xFFFF8000  }
0x52: {  	_ =	sfence.sel $0x180000  }
0x53: {  	[bflag:$0x0] =	sbarrier.arrive $0xFFFF  }
0x54: {  	p0 =	sne.s32 s0, $0x0;
	_ =	strace $0x90000047  }
0x55: {  	s0 =	sadd.s32 @!p0 $0x100000, s2;
	[bflag:$0x2] =	sbarrier.arrive $0xFFFF  }
0x56: {  	[sflag:s0] =	ssyncadd.tile.s32 @!p0 $0x1;
	_ =	shalt  }
.Lfunc_end2:
_tile_overlayer_lowered:
.L_overlay_start_2:
0x57: {  	(tag) =	ssettag $0x2  }
0x58: {  	s0 =	rddreg [dreg:$0x0];
	s2 =	stileid.u32  }
0x59: {  	s1 =	rddreg [dreg:$0x1];
	p0 =	sne.s32 s2, $0x0  }
0x5a: {  	s3 =	rddreg [dreg:$0x2];
	[bflag:$0x3] =	sbarrier.arrive $0xFFFF;
	s2 =	simm.s32 @!p0 $0x1C03  }
0x5b: {  	[timem:s3], [sflag:s2] =	dma.local @!p0 [hbm:s0], s1  }
0x5c: {  	s0 =	simm.s32 @!p0 $0x3  }
0x5d: {  	_ =	swait.ge @!p0 [sflag:s0], s1  }
0x5e: {  	s1 =	ssub.s32 @!p0 $0x0, s1;
	[sflag:s0] =	ssyncset.done @!p0 $0x0  }
0x5f: {  	[sflag:s0] =	ssyncadd.s32 @!p0 s1  }
0x60: {  	[bflag:$0x3] =	sbarrier.arrive $0xFFFF  }
0x61: {  	_ =	shalt  }

</sc_bundles>
